<compile_context>
chip_gen: v7x
topology: tpu7x:2x2x1
jax: 0.10.2.dev20260603
libtpu: 0.0.44.dev20260713+nightly
codegen_flags: <defaults>
</compile_context>

<pallas_src>
import jax
import jax.numpy as jnp
from jax.experimental import pallas as pl
from jax.experimental.pallas import tpu as pltpu
from jax.experimental.pallas import tpu_sc as plsc

S, B, D, E = 4096, 4, 768, 64
N = S * B
TM = 512
R = N // TM
NC = 1
HN = N // NC
G2 = R // NC + E
HALF = D // 2
NH = 2 * N
GW = 128


def _mm_body(wig_ref, wit_ref, gs_ref, ge_ref, xs_ref, We_ref, be_ref, out_ref):
    h = pl.program_id(0)
    i = pl.program_id(1)
    tile = wit_ref[h, i]
    prev_tile = wit_ref[h, jnp.maximum(i - 1, 0)]
    first = jnp.logical_or(i == 0, tile != prev_tile)

    @pl.when(first)
    def _():
        out_ref[...] = jnp.zeros_like(out_ref)

    g0 = gs_ref[h, i]
    g1 = ge_ref[h, i]

    @pl.when(g1 > g0)
    def _():
        rows = tile * TM + jax.lax.broadcasted_iota(jnp.int32, (TM, 1), 0)
        mask = jnp.logical_and(rows >= g0, rows < g1)
        a = xs_ref[...].astype(jnp.bfloat16)
        w = We_ref[0].astype(jnp.bfloat16)
        y = jax.lax.dot_general(a, w, (((1,), (1,)), ((), ())),
                                preferred_element_type=jnp.float32)
        y = y + be_ref[0]
        out_ref[...] += jnp.where(mask, y, 0.0)


def _grouped_matmul(wi_group, wi_tile, gs, ge, xs, We, be):
    grid_spec = pltpu.PrefetchScalarGridSpec(
        num_scalar_prefetch=4,
        grid=(NC, G2),
        in_specs=[
            pl.BlockSpec((TM, D), lambda h, i, wig, wit, s, e: (wit[h, i], 0)),
            pl.BlockSpec((1, D, D),
                         lambda h, i, wig, wit, s, e: (wig[h, i], 0, 0)),
            pl.BlockSpec((1, 1, D),
                         lambda h, i, wig, wit, s, e: (wig[h, i], 0, 0)),
        ],
        out_specs=pl.BlockSpec((TM, D),
                               lambda h, i, wig, wit, s, e: (wit[h, i], 0)),
    )
    return pl.pallas_call(
        _mm_body,
        grid_spec=grid_spec,
        out_shape=jax.ShapeDtypeStruct((N, D), jnp.float32),
        compiler_params=pltpu.CompilerParams(
            dimension_semantics=("parallel", "arbitrary")),
    )(wi_group, wi_tile, gs, ge, xs, We, be.reshape(E, 1, D))


def _sc_gather(xh, idx2):
    mesh = plsc.VectorSubcoreMesh(core_axis_name="c", subcore_axis_name="s")

    @pl.kernel(out_type=jax.ShapeDtypeStruct((NH, HALF), xh.dtype), mesh=mesh)
    def gather_kernel(x_hbm, i_hbm, o_hbm):
        def body(i_vmem, o_vmem):
            pltpu.sync_copy(x_hbm.at[i_vmem.at[0]], o_vmem)

        pltpu.emit_pipeline(
            body,
            grid=(NH // GW,),
            in_specs=[pl.BlockSpec((1, GW), lambda i: (0, i))],
            out_specs=[pl.BlockSpec((GW, HALF), lambda i: (i, 0))],
            core_axis_name=("c", "s"),
            dimension_semantics=(pltpu.PARALLEL,),
        )(i_hbm, o_hbm)

    return gather_kernel(xh, idx2.reshape(1, NH))


def _sc_scatter(ys, idx2):
    mesh = plsc.VectorSubcoreMesh(core_axis_name="c", subcore_axis_name="s")

    @pl.kernel(out_type=jax.ShapeDtypeStruct((NH, HALF), jnp.float32), mesh=mesh)
    def scatter_kernel(y_hbm, i_hbm, o_hbm):
        def body(y_vmem, i_vmem):
            pltpu.sync_copy(y_vmem, o_hbm.at[i_vmem.at[0]])

        pltpu.emit_pipeline(
            body,
            grid=(NH // GW,),
            in_specs=[
                pl.BlockSpec((GW, HALF), lambda i: (i, 0)),
                pl.BlockSpec((1, GW), lambda i: (0, i)),
            ],
            out_specs=[],
            core_axis_name=("c", "s"),
            dimension_semantics=(pltpu.PARALLEL,),
        )(y_hbm, i_hbm)

    return scatter_kernel(ys.reshape(NH, HALF), idx2.reshape(1, NH))


def _work_items_half(counts, offsets, h):
    lo, hi = h * HN, (h + 1) * HN
    cs = jnp.clip(offsets[:E], lo, hi)
    ce = jnp.clip(offsets[1:], lo, hi)
    first_tile = cs // TM
    last_tile = jnp.maximum(ce - 1, 0) // TM
    ntiles = jnp.where(ce > cs, last_tile - first_tile + 1, 0).astype(jnp.int32)
    wcum = jnp.concatenate(
        [jnp.zeros((1,), jnp.int32), jnp.cumsum(ntiles).astype(jnp.int32)])
    W = wcum[E]

    i = jnp.arange(G2, dtype=jnp.int32)
    g = jnp.clip(jnp.searchsorted(wcum, i, side="right") - 1, 0, E - 1)
    g = g.astype(jnp.int32)
    tile = first_tile[g] + (i - wcum[g])
    gs = cs[g]
    ge = ce[g]

    valid = i < W
    last = jnp.maximum(W - 1, 0)
    wi_tile = jnp.where(valid, tile, jnp.take(tile, last)).astype(jnp.int32)
    wi_group = jnp.where(valid, g, jnp.take(g, last)).astype(jnp.int32)
    gs = jnp.where(valid, gs, 0).astype(jnp.int32)
    ge = jnp.where(valid, ge, 0).astype(jnp.int32)
    return wi_group, wi_tile, gs, ge


def _work_items(counts):
    offsets = jnp.concatenate(
        [jnp.zeros((1,), jnp.int32), jnp.cumsum(counts).astype(jnp.int32)])
    halves = [_work_items_half(counts, offsets, h) for h in range(NC)]
    return tuple(jnp.stack([hv[k] for hv in halves]) for k in range(4))


@jax.jit
def kernel(x, gate_W, gate_b, We, be):
    gate_logits = x @ gate_W.T + gate_b
    sel = jnp.argmax(gate_logits, axis=-1).reshape(N).astype(jnp.int32)

    order = jnp.argsort(sel, stable=False).astype(jnp.int32)
    idx2 = (order[:, None] * 2 + jnp.arange(2, dtype=jnp.int32)).reshape(NH)
    counts = jnp.bincount(sel, length=E)
    wi_group, wi_tile, gs, ge = _work_items(counts)

    xh = x.reshape(NH, HALF)
    xs = _sc_gather(xh, idx2).reshape(N, D)
    ys = _grouped_matmul(wi_group, wi_tile, gs, ge, xs, We, be)
    out_flat = _sc_scatter(ys.reshape(NH, HALF), idx2)
    return out_flat.reshape(S, B, D)

# --- scband reference (transcript-rebuilt; emitter-appended) ---
"""Pipeline reference for scband-mo-elayer-16690242912310 (READ-ONLY COPY).

The authoritative reference and input builder live on the scoring server;
editing this copy changes nothing except your own understanding.
"""

import jax, jax.numpy as jnp
import numpy as np

S, B, D, E, K = 4096, 4, 768, 64, 1


def setup_inputs(seed: int = 0) -> dict:
    key = jax.random.key(seed)
    ks = jax.random.split(key, 5)
    x = jax.random.normal(ks[0], (S, B, D), dtype=jnp.float32)
    gate_W = jax.random.normal(ks[1], (E, D), dtype=jnp.float32) * (1.0 / np.sqrt(D))
    gate_b = jnp.zeros((E,), dtype=jnp.float32)
    We = jax.random.normal(ks[2], (E, D, D), dtype=jnp.float32) * (1.0 / np.sqrt(D))
    be = jnp.zeros((E, D), dtype=jnp.float32)
    return {"x": x, "gate_W": gate_W, "gate_b": gate_b, "We": We, "be": be}


def reference(x, gate_W, gate_b, We, be):
    # gate_logits = self.gate(x)
    gate_logits = x @ gate_W.T + gate_b
    # weights, selected_experts = torch.topk(gate_logits, k)
    weights, selected = jax.lax.top_k(gate_logits, K)
    # weights = softmax(weights, dim=-1, dtype=float)
    weights = jax.nn.softmax(weights.astype(jnp.float32), axis=-1)
    out = jnp.zeros_like(x)
    # dropout is identity in eval mode
    for i in range(E):
        w = jnp.sum(jnp.where(selected == i, weights, 0.0), axis=-1)
        y = x @ We[i].T + be[i]  # expert = Linear(d_model, d_model)
        out = out + w[:, :, None] * y
    return out

if __name__ == "__main__":
    import jax
    _d = setup_inputs()
    print(jax.jit(kernel)(*tuple(_d.values())))

</pallas_src>

<mosaic_0001>
#map = affine_map<(d0, d1) -> (0, 0)>
module attributes {stable_mosaic.version = 14 : i64} {
  func.func @gather_kernel(%arg0: i32, %arg1: i32, %arg2: memref<32768x384xf32, #tpu.memory_space<hbm>>, %arg3: memref<1x32768xi32, #tpu.memory_space<hbm>>, %arg4: memref<32768x384xf32, #tpu.memory_space<hbm>>) attributes {dimension_semantics = [#tpu.dimension_semantics<core_parallel>, #tpu.dimension_semantics<subcore_parallel>], iteration_bounds = array<i64: 2, 16>, scalar_prefetch = 0 : i64, scratch_operands = 0 : i64, tpu.core_type = #tpu.core_type<sc_vector_subcore>, window_params = [{transform_indices = #map}, {transform_indices = #map}, {transform_indices = #map}]} {
    %mul3A = arith.constant 1 : i32
    %mul3A_0 = arith.muli %arg1, %mul3A : i32
    %add3A = arith.constant 0 : i32
    %add3A_1 = arith.addi %add3A, %mul3A_0 : i32
    %mul3A_2 = arith.constant 16 : i32
    %mul3A_3 = arith.muli %arg0, %mul3A_2 : i32
    %add3A_4 = arith.addi %add3A_1, %mul3A_3 : i32
    %mul3A_5 = arith.constant 8 : i32
    %mul3A_6 = arith.muli %add3A_4, %mul3A_5 : i32
    "tpu.region"() ({
      %run_scoped3A = memref.alloca() : memref<2x1x128xi32, #tpu.memory_space<vmem>>
      %run_scoped3A_7 = tpu.sem_alloc : memref<2x!tpu.dma_semaphore, #tpu.memory_space<semaphore_mem>>
      %run_scoped3A_8 = memref.alloca() : memref<2x128x384xf32, #tpu.memory_space<vmem>>
      %run_scoped3A_9 = tpu.sem_alloc : memref<2x!tpu.dma_semaphore, #tpu.memory_space<semaphore_mem>>
      %add3A_10 = arith.constant 0 : i32
      %add3A_11 = arith.addi %add3A_10, %mul3A_6 : i32
      %select_n3A = arith.constant true
      %select_n3A_12 = arith.constant 0 : i32
      %select_n3A_13 = arith.constant -1 : i32
      %select_n3A_14 = arith.select %select_n3A, %select_n3A_13, %select_n3A_12 : i32
      %eq3A = arith.constant -1 : i32
      %eq3A_15 = arith.cmpi eq, %select_n3A_14, %eq3A : i32
      %select_n3A_16 = arith.constant 7 : i32
      %select_n3A_17 = arith.select %eq3A_15, %select_n3A_16, %select_n3A_14 : i32
      %add3A_18 = arith.addi %select_n3A_17, %mul3A_6 : i32
      %select_n3A_19 = arith.constant true
      %select_n3A_20 = arith.constant 0 : i32
      %select_n3A_21 = arith.constant 1 : i32
      %select_n3A_22 = arith.select %select_n3A_19, %select_n3A_21, %select_n3A_20 : i32
      %eq3A_23 = arith.constant 8 : i32
      %eq3A_24 = arith.cmpi eq, %select_n3A_22, %eq3A_23 : i32
      %select_n3A_25 = arith.constant 0 : i32
      %select_n3A_26 = arith.select %eq3A_24, %select_n3A_25, %select_n3A_22 : i32
      %add3A_27 = arith.addi %select_n3A_26, %mul3A_6 : i32
      %add3A_28 = arith.constant 1 : i32
      %add3A_29 = arith.addi %select_n3A_26, %add3A_28 : i32
      %select_n3A_30 = arith.constant true
      %select_n3A_31 = arith.select %select_n3A_30, %add3A_29, %select_n3A_26 : i32
      %eq3A_32 = arith.constant 8 : i32
      %eq3A_33 = arith.cmpi eq, %select_n3A_31, %eq3A_32 : i32
      %select_n3A_34 = arith.constant 0 : i32
      %select_n3A_35 = arith.select %eq3A_33, %select_n3A_34, %select_n3A_31 : i32
      %add3A_36 = arith.addi %select_n3A_35, %mul3A_6 : i32
      "tpu.trace_start"() <{level = 10 : i32, message = "ep_initialize_0"}> : () -> ()
      %rem3A = arith.constant 0 : i32
      %rem3A_37 = arith.constant 2 : i32
      %rem3A_38 = arith.remui %rem3A, %rem3A_37 : i32
      %mul3A_39 = arith.constant 128 : i32
      %mul3A_40 = arith.muli %mul3A_39, %add3A_11 : i32
      %dma_start3A = arith.constant 0 : i32
      %dma_start3A_41 = arith.constant 0 : i32
      %dma_start3A_42 = tpu.memref_slice %run_scoped3A[%rem3A_38, %dma_start3A, %dma_start3A_41] : memref<2x1x128xi32, #tpu.memory_space<vmem>> -> memref<1x1x128xi32, #tpu.memory_space<vmem>>
      %dma_start3A_43 = tpu.memref_squeeze %dma_start3A_42 : memref<1x1x128xi32, #tpu.memory_space<vmem>> -> memref<1x128xi32, #tpu.memory_space<vmem>>
      %dma_start3A_44 = arith.constant 0 : i32
      %dma_start3A_45 = tpu.memref_slice %arg3[%dma_start3A_44, %mul3A_40] : memref<1x32768xi32, #tpu.memory_space<hbm>> -> memref<1x128xi32, #tpu.memory_space<hbm>>
      %dma_start3A_46 = tpu.memref_slice %run_scoped3A_7[%rem3A_38] : memref<2x!tpu.dma_semaphore, #tpu.memory_space<semaphore_mem>> -> memref<1x!tpu.dma_semaphore, #tpu.memory_space<semaphore_mem>>
      %dma_start3A_47 = tpu.memref_squeeze %dma_start3A_46 : memref<1x!tpu.dma_semaphore, #tpu.memory_space<semaphore_mem>> -> memref<!tpu.dma_semaphore, #tpu.memory_space<semaphore_mem>>
      %dma_start3A_48 = arith.constant 0 : i32
      %dma_start3A_49 = arith.constant 0 : i32
      %dma_start3A_50 = tpu.memref_slice %run_scoped3A[%rem3A_38, %dma_start3A_48, %dma_start3A_49] : memref<2x1x128xi32, #tpu.memory_space<vmem>> -> memref<1x1x128xi32, #tpu.memory_space<vmem>>
      %dma_start3A_51 = tpu.memref_squeeze %dma_start3A_50 : memref<1x1x128xi32, #tpu.memory_space<vmem>> -> memref<1x128xi32, #tpu.memory_space<vmem>>
      %dma_start3A_52 = arith.constant 0 : i32
      %dma_start3A_53 = tpu.memref_slice %arg3[%dma_start3A_52, %mul3A_40] : memref<1x32768xi32, #tpu.memory_space<hbm>> -> memref<1x128xi32, #tpu.memory_space<hbm>>
      tpu.enqueue_dma source(%dma_start3A_53 : memref<1x128xi32, #tpu.memory_space<hbm>>) target(%dma_start3A_51 : memref<1x128xi32, #tpu.memory_space<vmem>>) target_semaphore(%dma_start3A_47 : memref<!tpu.dma_semaphore, #tpu.memory_space<semaphore_mem>>)
      %add3A_54 = arith.constant 0 : i32
      %add3A_55 = arith.constant 1 : i32
      %add3A_56 = arith.addi %add3A_54, %add3A_55 : i32
      %select_n3A_57 = arith.constant true
      %select_n3A_58 = arith.constant 0 : i32
      %select_n3A_59 = arith.select %select_n3A_57, %add3A_56, %select_n3A_58 : i32
      "tpu.trace_stop"() : () -> ()
      %scan3A = arith.constant 0 : i32
      %scan3A_60 = arith.constant 0 : i32
      %scan3A_61 = arith.constant 0 : i32
      %scan3A_62 = arith.constant 0 : i32
      %scan3A_63 = arith.constant 0 : i32
      %scan3A_64 = arith.constant 8 : i32
      %scan3A_65 = arith.addi %scan3A_63, %scan3A_64 : i32
      %scan3A_66 = arith.constant 1 : i32
      %scan3A_67:5 = scf.for %scan3A_121 = %scan3A_63 to %scan3A_65 step %scan3A_66 iter_args(%scan3A_122 = %select_n3A_59, %scan3A_123 = %scan3A, %scan3A_124 = %scan3A_60, %scan3A_125 = %scan3A_61, %scan3A_126 = %scan3A_62) -> (i32, i32, i32, i32, i32)  : i32 {
        %eq3A_127 = arith.constant 0 : i32
        %eq3A_128 = arith.cmpi eq, %scan3A_121, %eq3A_127 : i32
        %eq3A_129 = arith.constant 7 : i32
        %eq3A_130 = arith.cmpi eq, %scan3A_121, %eq3A_129 : i32
        %add3A_131 = arith.addi %scan3A_126, %mul3A_6 : i32
        %sub3A_132 = arith.constant 1 : i32
        %sub3A_133 = arith.subi %scan3A_126, %sub3A_132 : i32
        %select_n3A_134 = arith.constant true
        %select_n3A_135 = arith.select %select_n3A_134, %sub3A_133, %scan3A_126 : i32
        %eq3A_136 = arith.constant -1 : i32
        %eq3A_137 = arith.cmpi eq, %select_n3A_135, %eq3A_136 : i32
        %select_n3A_138 = arith.constant 7 : i32
        %select_n3A_139 = arith.select %eq3A_137, %select_n3A_138, %select_n3A_135 : i32
        %add3A_140 = arith.addi %select_n3A_139, %mul3A_6 : i32
        %add3A_141 = arith.constant 1 : i32
        %add3A_142 = arith.addi %scan3A_126, %add3A_141 : i32
        %select_n3A_143 = arith.constant true
        %select_n3A_144 = arith.select %select_n3A_143, %add3A_142, %scan3A_126 : i32
        %eq3A_145 = arith.constant 8 : i32
        %eq3A_146 = arith.cmpi eq, %select_n3A_144, %eq3A_145 : i32
        %select_n3A_147 = arith.constant 0 : i32
        %select_n3A_148 = arith.select %eq3A_146, %select_n3A_147, %select_n3A_144 : i32
        %add3A_149 = arith.addi %select_n3A_148, %mul3A_6 : i32
        %add3A_150 = arith.constant 1 : i32
        %add3A_151 = arith.addi %select_n3A_148, %add3A_150 : i32
        %select_n3A_152 = arith.constant true
        %select_n3A_153 = arith.select %select_n3A_152, %add3A_151, %select_n3A_148 : i32
        %eq3A_154 = arith.constant 8 : i32
        %eq3A_155 = arith.cmpi eq, %select_n3A_153, %eq3A_154 : i32
        %select_n3A_156 = arith.constant 0 : i32
        %select_n3A_157 = arith.select %eq3A_155, %select_n3A_156, %select_n3A_153 : i32
        %add3A_158 = arith.addi %select_n3A_157, %mul3A_6 : i32
        %ne3A = arith.cmpi ne, %add3A_131, %add3A_149 : i32
        %or3A = arith.constant false
        %or3A_159 = arith.ori %or3A, %ne3A : i1
        %ge3A = arith.constant 7 : i32
        %ge3A_160 = arith.cmpi sge, %scan3A_121, %ge3A : i32
        %not3A = arith.constant true
        %not3A_161 = arith.xori %ge3A_160, %not3A : i1
        %and3A = arith.andi %or3A_159, %not3A_161 : i1
        %convert_element_type3A = arith.extui %and3A : i1 to i32
        %cond3A = arith.constant 0 : i32
        %cond3A_162 = arith.cmpi ne, %convert_element_type3A, %cond3A : i32
        scf.if %cond3A_162 {
          "tpu.trace_start"() <{level = 10 : i32, message = "ep_copy_in"}> : () -> ()
          %rem3A_264 = arith.constant 2 : i32
          %rem3A_265 = arith.remui %scan3A_122, %rem3A_264 : i32
          %mul3A_266 = arith.constant 128 : i32
          %mul3A_267 = arith.muli %mul3A_266, %add3A_149 : i32
          %dma_start3A_268 = arith.constant 0 : i32
          %dma_start3A_269 = arith.constant 0 : i32
          %dma_start3A_270 = tpu.memref_slice %run_scoped3A[%rem3A_265, %dma_start3A_268, %dma_start3A_269] : memref<2x1x128xi32, #tpu.memory_space<vmem>> -> memref<1x1x128xi32, #tpu.memory_space<vmem>>
          %dma_start3A_271 = tpu.memref_squeeze %dma_start3A_270 : memref<1x1x128xi32, #tpu.memory_space<vmem>> -> memref<1x128xi32, #tpu.memory_space<vmem>>
          %dma_start3A_272 = arith.constant 0 : i32
          %dma_start3A_273 = tpu.memref_slice %arg3[%dma_start3A_272, %mul3A_267] : memref<1x32768xi32, #tpu.memory_space<hbm>> -> memref<1x128xi32, #tpu.memory_space<hbm>>
          %dma_start3A_274 = tpu.memref_slice %run_scoped3A_7[%rem3A_265] : memref<2x!tpu.dma_semaphore, #tpu.memory_space<semaphore_mem>> -> memref<1x!tpu.dma_semaphore, #tpu.memory_space<semaphore_mem>>
          %dma_start3A_275 = tpu.memref_squeeze %dma_start3A_274 : memref<1x!tpu.dma_semaphore, #tpu.memory_space<semaphore_mem>> -> memref<!tpu.dma_semaphore, #tpu.memory_space<semaphore_mem>>
          %dma_start3A_276 = arith.constant 0 : i32
          %dma_start3A_277 = arith.constant 0 : i32
          %dma_start3A_278 = tpu.memref_slice %run_scoped3A[%rem3A_265, %dma_start3A_276, %dma_start3A_277] : memref<2x1x128xi32, #tpu.memory_space<vmem>> -> memref<1x1x128xi32, #tpu.memory_space<vmem>>
          %dma_start3A_279 = tpu.memref_squeeze %dma_start3A_278 : memref<1x1x128xi32, #tpu.memory_space<vmem>> -> memref<1x128xi32, #tpu.memory_space<vmem>>
          %dma_start3A_280 = arith.constant 0 : i32
          %dma_start3A_281 = tpu.memref_slice %arg3[%dma_start3A_280, %mul3A_267] : memref<1x32768xi32, #tpu.memory_space<hbm>> -> memref<1x128xi32, #tpu.memory_space<hbm>>
          tpu.enqueue_dma source(%dma_start3A_281 : memref<1x128xi32, #tpu.memory_space<hbm>>) target(%dma_start3A_279 : memref<1x128xi32, #tpu.memory_space<vmem>>) target_semaphore(%dma_start3A_275 : memref<!tpu.dma_semaphore, #tpu.memory_space<semaphore_mem>>)
          "tpu.trace_stop"() : () -> ()
        } else {
        }
        %and3A_163 = arith.constant true
        %and3A_164 = arith.andi %and3A, %and3A_163 : i1
        %add3A_165 = arith.constant 1 : i32
        %add3A_166 = arith.addi %scan3A_122, %add3A_165 : i32
        %select_n3A_167 = arith.select %and3A_164, %add3A_166, %scan3A_122 : i32
        %ne3A_168 = arith.cmpi ne, %add3A_131, %add3A_149 : i32
        %or3A_169 = arith.constant false
        %or3A_170 = arith.ori %or3A_169, %ne3A_168 : i1
        %or3A_171 = arith.constant false
        %or3A_172 = arith.ori %or3A_170, %or3A_171 : i1
        %ge3A_173 = arith.constant 7 : i32
        %ge3A_174 = arith.cmpi sge, %scan3A_121, %ge3A_173 : i32
        %not3A_175 = arith.constant true
        %not3A_176 = arith.xori %ge3A_174, %not3A_175 : i1
        %and3A_177 = arith.andi %or3A_172, %not3A_176 : i1
        %ne3A_178 = arith.cmpi ne, %add3A_131, %add3A_140 : i32
        %or3A_179 = arith.constant false
        %or3A_180 = arith.ori %or3A_179, %ne3A_178 : i1
        %or3A_181 = arith.ori %or3A_180, %eq3A_128 : i1
        %convert_element_type3A_182 = arith.extui %or3A_181 : i1 to i32
        %cond3A_183 = arith.constant 0 : i32
        %cond3A_184 = arith.cmpi ne, %convert_element_type3A_182, %cond3A_183 : i32
        scf.if %cond3A_184 {
          "tpu.trace_start"() <{level = 10 : i32, message = "ep_wait_in"}> : () -> ()
          %mul3A_264 = arith.constant 128 : i32
          %mul3A_265 = arith.muli %mul3A_264, %add3A_131 : i32
          %rem3A_266 = arith.constant 2 : i32
          %rem3A_267 = arith.remui %scan3A_123, %rem3A_266 : i32
          %dma_wait3A_268 = arith.constant 0 : i32
          %dma_wait3A_269 = arith.constant 0 : i32
          %dma_wait3A_270 = tpu.memref_slice %run_scoped3A[%rem3A_267, %dma_wait3A_268, %dma_wait3A_269] : memref<2x1x128xi32, #tpu.memory_space<vmem>> -> memref<1x1x128xi32, #tpu.memory_space<vmem>>
          %dma_wait3A_271 = tpu.memref_squeeze %dma_wait3A_270 : memref<1x1x128xi32, #tpu.memory_space<vmem>> -> memref<1x128xi32, #tpu.memory_space<vmem>>
          %dma_wait3A_272 = arith.constant 0 : i32
          %dma_wait3A_273 = tpu.memref_slice %arg3[%dma_wait3A_272, %mul3A_265] : memref<1x32768xi32, #tpu.memory_space<hbm>> -> memref<1x128xi32, #tpu.memory_space<hbm>>
          %dma_wait3A_274 = tpu.memref_slice %run_scoped3A_7[%rem3A_267] : memref<2x!tpu.dma_semaphore, #tpu.memory_space<semaphore_mem>> -> memref<1x!tpu.dma_semaphore, #tpu.memory_space<semaphore_mem>>
          %dma_wait3A_275 = tpu.memref_squeeze %dma_wait3A_274 : memref<1x!tpu.dma_semaphore, #tpu.memory_space<semaphore_mem>> -> memref<!tpu.dma_semaphore, #tpu.memory_space<semaphore_mem>>
          %dma_wait3A_276 = arith.constant 0 : i32
          %dma_wait3A_277 = arith.constant 0 : i32
          %dma_wait3A_278 = tpu.memref_slice %run_scoped3A[%rem3A_267, %dma_wait3A_276, %dma_wait3A_277] : memref<2x1x128xi32, #tpu.memory_space<vmem>> -> memref<1x1x128xi32, #tpu.memory_space<vmem>>
          %dma_wait3A_279 = tpu.memref_squeeze %dma_wait3A_278 : memref<1x1x128xi32, #tpu.memory_space<vmem>> -> memref<1x128xi32, #tpu.memory_space<vmem>>
          %dma_wait3A_280 = arith.constant 0 : i32
          %dma_wait3A_281 = tpu.memref_slice %arg3[%dma_wait3A_280, %mul3A_265] : memref<1x32768xi32, #tpu.memory_space<hbm>> -> memref<1x128xi32, #tpu.memory_space<hbm>>
          tpu.wait_dma2 semaphore(%dma_wait3A_275 : memref<!tpu.dma_semaphore, #tpu.memory_space<semaphore_mem>>) src(%dma_wait3A_281 : memref<1x128xi32, #tpu.memory_space<hbm>>) dst(%dma_wait3A_279 : memref<1x128xi32, #tpu.memory_space<vmem>>)
          "tpu.trace_stop"() : () -> ()
        } else {
        }
        %ne3A_185 = arith.cmpi ne, %add3A_131, %add3A_140 : i32
        %or3A_186 = arith.constant false
        %or3A_187 = arith.ori %or3A_186, %ne3A_185 : i1
        %or3A_188 = arith.constant false
        %or3A_189 = arith.ori %or3A_187, %or3A_188 : i1
        %or3A_190 = arith.ori %or3A_189, %eq3A_128 : i1
        %convert_element_type3A_191 = arith.extui %or3A_190 : i1 to i32
        %cond3A_192 = arith.constant 0 : i32
        %cond3A_193 = arith.cmpi ne, %convert_element_type3A_191, %cond3A_192 : i32
        scf.if %cond3A_193 {
        } else {
        }
        %rem3A_194 = arith.constant 2 : i32
        %rem3A_195 = arith.remui %scan3A_123, %rem3A_194 : i32
        %rem3A_196 = arith.constant 2 : i32
        %rem3A_197 = arith.remui %scan3A_124, %rem3A_196 : i32
        %run_scoped3A_198 = arith.constant 0 : i32
        "tpu.trace_start"() <{level = 10 : i32, message = "ep_run_kernel"}> : () -> ()
        "tpu.region"() ({
          %run_scoped3A_264 = tpu.sem_alloc : memref<!tpu.dma_semaphore, #tpu.memory_space<semaphore_mem>>
          %dma_start3A_265 = arith.constant 0 : i32
          %dma_start3A_266 = arith.constant 0 : i32
          %dma_start3A_267 = tpu.memref_slice %run_scoped3A_8[%rem3A_197, %dma_start3A_265, %dma_start3A_266] : memref<2x128x384xf32, #tpu.memory_space<vmem>> -> memref<1x128x384xf32, #tpu.memory_space<vmem>>
          %dma_start3A_268 = tpu.memref_squeeze %dma_start3A_267 : memref<1x128x384xf32, #tpu.memory_space<vmem>> -> memref<128x384xf32, #tpu.memory_space<vmem>>
          %dma_start3A_269 = arith.constant 0 : i32
          %dma_start3A_270 = arith.constant 0 : i32
          %dma_start3A_271 = tpu.memref_slice %run_scoped3A[%rem3A_195, %dma_start3A_269, %dma_start3A_270] : memref<2x1x128xi32, #tpu.memory_space<vmem>> -> memref<1x1x128xi32, #tpu.memory_space<vmem>>
          %dma_start3A_272 = tpu.memref_squeeze %dma_start3A_271 : memref<1x1x128xi32, #tpu.memory_space<vmem>> -> memref<1x128xi32, #tpu.memory_space<vmem>>
          %dma_start3A_273 = arith.constant 0 : i32
          %dma_start3A_274 = tpu.memref_slice %dma_start3A_272[%run_scoped3A_198, %dma_start3A_273] : memref<1x128xi32, #tpu.memory_space<vmem>> -> memref<1x128xi32, #tpu.memory_space<vmem>>
          %dma_start3A_275 = tpu.memref_squeeze %dma_start3A_274 : memref<1x128xi32, #tpu.memory_space<vmem>> -> memref<128xi32, #tpu.memory_space<vmem>>
          %dma_start3A_276 = arith.constant 0 : i32
          %dma_start3A_277 = arith.constant 0 : i32
          %dma_start3A_278 = tpu.memref_slice %arg2[%dma_start3A_276, %dma_start3A_277] : memref<32768x384xf32, #tpu.memory_space<hbm>> -> memref<32768x384xf32, #tpu.memory_space<hbm>>
          tpu.enqueue_indirect_dma source(%dma_start3A_278 : memref<32768x384xf32, #tpu.memory_space<hbm>>) target(%dma_start3A_268 : memref<128x384xf32, #tpu.memory_space<vmem>>) offsets(%dma_start3A_275 : memref<128xi32, #tpu.memory_space<vmem>>) semaphore(%run_scoped3A_264 : memref<!tpu.dma_semaphore, #tpu.memory_space<semaphore_mem>>)
          %dma_wait3A_279 = arith.constant 0 : i32
          %dma_wait3A_280 = arith.constant 0 : i32
          %dma_wait3A_281 = tpu.memref_slice %run_scoped3A_8[%rem3A_197, %dma_wait3A_279, %dma_wait3A_280] : memref<2x128x384xf32, #tpu.memory_space<vmem>> -> memref<1x128x384xf32, #tpu.memory_space<vmem>>
          %dma_wait3A_282 = tpu.memref_squeeze %dma_wait3A_281 : memref<1x128x384xf32, #tpu.memory_space<vmem>> -> memref<128x384xf32, #tpu.memory_space<vmem>>
          %dma_wait3A_283 = arith.constant 0 : i32
          %dma_wait3A_284 = arith.constant 0 : i32
          %dma_wait3A_285 = tpu.memref_slice %run_scoped3A[%rem3A_195, %dma_wait3A_283, %dma_wait3A_284] : memref<2x1x128xi32, #tpu.memory_space<vmem>> -> memref<1x1x128xi32, #tpu.memory_space<vmem>>
          %dma_wait3A_286 = tpu.memref_squeeze %dma_wait3A_285 : memref<1x1x128xi32, #tpu.memory_space<vmem>> -> memref<1x128xi32, #tpu.memory_space<vmem>>
          %dma_wait3A_287 = arith.constant 0 : i32
          %dma_wait3A_288 = tpu.memref_slice %dma_wait3A_286[%run_scoped3A_198, %dma_wait3A_287] : memref<1x128xi32, #tpu.memory_space<vmem>> -> memref<1x128xi32, #tpu.memory_space<vmem>>
          %dma_wait3A_289 = tpu.memref_squeeze %dma_wait3A_288 : memref<1x128xi32, #tpu.memory_space<vmem>> -> memref<128xi32, #tpu.memory_space<vmem>>
          %dma_wait3A_290 = arith.constant 0 : i32
          %dma_wait3A_291 = arith.constant 0 : i32
          %dma_wait3A_292 = tpu.memref_slice %arg2[%dma_wait3A_290, %dma_wait3A_291] : memref<32768x384xf32, #tpu.memory_space<hbm>> -> memref<32768x384xf32, #tpu.memory_space<hbm>>
          tpu.wait_indirect_dma semaphore(%run_scoped3A_264 : memref<!tpu.dma_semaphore, #tpu.memory_space<semaphore_mem>>) src(%dma_wait3A_292 : memref<32768x384xf32, #tpu.memory_space<hbm>>) dst(%dma_wait3A_282 : memref<128x384xf32, #tpu.memory_space<vmem>>)
          tpu.yield
        }) : () -> ()
        "tpu.trace_stop"() : () -> ()
        %ne3A_199 = arith.cmpi ne, %add3A_131, %add3A_149 : i32
        %or3A_200 = arith.constant false
        %or3A_201 = arith.ori %or3A_200, %ne3A_199 : i1
        %or3A_202 = arith.ori %or3A_201, %eq3A_130 : i1
        %convert_element_type3A_203 = arith.extui %or3A_202 : i1 to i32
        %cond3A_204 = arith.constant 0 : i32
        %cond3A_205 = arith.cmpi ne, %convert_element_type3A_203, %cond3A_204 : i32
        scf.if %cond3A_205 {
        } else {
        }
        %and3A_206 = arith.constant false
        %and3A_207 = arith.andi %or3A_202, %and3A_206 : i1
        %ne3A_208 = arith.cmpi ne, %add3A_131, %add3A_149 : i32
        %or3A_209 = arith.constant false
        %or3A_210 = arith.ori %or3A_209, %ne3A_208 : i1
        %or3A_211 = arith.constant false
        %or3A_212 = arith.ori %or3A_210, %or3A_211 : i1
        %or3A_213 = arith.ori %or3A_212, %eq3A_130 : i1
        %convert_element_type3A_214 = arith.extui %or3A_213 : i1 to i32
        %cond3A_215 = arith.constant 0 : i32
        %cond3A_216 = arith.cmpi ne, %convert_element_type3A_214, %cond3A_215 : i32
        scf.if %cond3A_216 {
          "tpu.trace_start"() <{level = 10 : i32, message = "ep_copy_out"}> : () -> ()
          %rem3A_264 = arith.constant 2 : i32
          %rem3A_265 = arith.remui %scan3A_124, %rem3A_264 : i32
          %mul3A_266 = arith.constant 128 : i32
          %mul3A_267 = arith.muli %mul3A_266, %add3A_131 : i32
          %dma_start3A_268 = arith.constant 0 : i32
          %dma_start3A_269 = arith.constant 0 : i32
          %dma_start3A_270 = tpu.memref_slice %run_scoped3A_8[%rem3A_265, %dma_start3A_268, %dma_start3A_269] : memref<2x128x384xf32, #tpu.memory_space<vmem>> -> memref<1x128x384xf32, #tpu.memory_space<vmem>>
          %dma_start3A_271 = tpu.memref_squeeze %dma_start3A_270 : memref<1x128x384xf32, #tpu.memory_space<vmem>> -> memref<128x384xf32, #tpu.memory_space<vmem>>
          %dma_start3A_272 = arith.constant 0 : i32
          %dma_start3A_273 = tpu.memref_slice %arg4[%mul3A_267, %dma_start3A_272] : memref<32768x384xf32, #tpu.memory_space<hbm>> -> memref<128x384xf32, #tpu.memory_space<hbm>>
          %dma_start3A_274 = tpu.memref_slice %run_scoped3A_9[%rem3A_265] : memref<2x!tpu.dma_semaphore, #tpu.memory_space<semaphore_mem>> -> memref<1x!tpu.dma_semaphore, #tpu.memory_space<semaphore_mem>>
          %dma_start3A_275 = tpu.memref_squeeze %dma_start3A_274 : memref<1x!tpu.dma_semaphore, #tpu.memory_space<semaphore_mem>> -> memref<!tpu.dma_semaphore, #tpu.memory_space<semaphore_mem>>
          %dma_start3A_276 = arith.constant 0 : i32
          %dma_start3A_277 = tpu.memref_slice %arg4[%mul3A_267, %dma_start3A_276] : memref<32768x384xf32, #tpu.memory_space<hbm>> -> memref<128x384xf32, #tpu.memory_space<hbm>>
          %dma_start3A_278 = arith.constant 0 : i32
          %dma_start3A_279 = arith.constant 0 : i32
          %dma_start3A_280 = tpu.memref_slice %run_scoped3A_8[%rem3A_265, %dma_start3A_278, %dma_start3A_279] : memref<2x128x384xf32, #tpu.memory_space<vmem>> -> memref<1x128x384xf32, #tpu.memory_space<vmem>>
          %dma_start3A_281 = tpu.memref_squeeze %dma_start3A_280 : memref<1x128x384xf32, #tpu.memory_space<vmem>> -> memref<128x384xf32, #tpu.memory_space<vmem>>
          tpu.enqueue_dma source(%dma_start3A_281 : memref<128x384xf32, #tpu.memory_space<vmem>>) target(%dma_start3A_277 : memref<128x384xf32, #tpu.memory_space<hbm>>) target_semaphore(%dma_start3A_275 : memref<!tpu.dma_semaphore, #tpu.memory_space<semaphore_mem>>)
          "tpu.trace_stop"() : () -> ()
        } else {
        }
        %and3A_217 = arith.constant true
        %and3A_218 = arith.andi %or3A_213, %and3A_217 : i1
        %add3A_219 = arith.constant 1 : i32
        %add3A_220 = arith.addi %scan3A_124, %add3A_219 : i32
        %select_n3A_221 = arith.select %and3A_218, %add3A_220, %scan3A_124 : i32
        %ne3A_222 = arith.cmpi ne, %add3A_131, %add3A_140 : i32
        %or3A_223 = arith.constant false
        %or3A_224 = arith.ori %or3A_223, %ne3A_222 : i1
        %not3A_225 = arith.constant true
        %not3A_226 = arith.xori %eq3A_128, %not3A_225 : i1
        %and3A_227 = arith.andi %or3A_224, %not3A_226 : i1
        %convert_element_type3A_228 = arith.extui %and3A_227 : i1 to i32
        %cond3A_229 = arith.constant 0 : i32
        %cond3A_230 = arith.cmpi ne, %convert_element_type3A_228, %cond3A_229 : i32
        scf.if %cond3A_230 {
        } else {
        }
        %and3A_231 = arith.constant false
        %and3A_232 = arith.andi %and3A_227, %and3A_231 : i1
        %ne3A_233 = arith.cmpi ne, %add3A_131, %add3A_140 : i32
        %or3A_234 = arith.constant false
        %or3A_235 = arith.ori %or3A_234, %ne3A_233 : i1
        %or3A_236 = arith.constant false
        %or3A_237 = arith.ori %or3A_235, %or3A_236 : i1
        %not3A_238 = arith.constant true
        %not3A_239 = arith.xori %eq3A_128, %not3A_238 : i1
        %and3A_240 = arith.andi %or3A_237, %not3A_239 : i1
        %convert_element_type3A_241 = arith.extui %and3A_240 : i1 to i32
        %cond3A_242 = arith.constant 0 : i32
        %cond3A_243 = arith.cmpi ne, %convert_element_type3A_241, %cond3A_242 : i32
        scf.if %cond3A_243 {
          "tpu.trace_start"() <{level = 10 : i32, message = "ep_wait_out"}> : () -> ()
          %rem3A_264 = arith.constant 2 : i32
          %rem3A_265 = arith.remui %scan3A_125, %rem3A_264 : i32
          %mul3A_266 = arith.constant 128 : i32
          %mul3A_267 = arith.muli %mul3A_266, %add3A_140 : i32
          %dma_wait3A_268 = arith.constant 0 : i32
          %dma_wait3A_269 = arith.constant 0 : i32
          %dma_wait3A_270 = tpu.memref_slice %run_scoped3A_8[%rem3A_265, %dma_wait3A_268, %dma_wait3A_269] : memref<2x128x384xf32, #tpu.memory_space<vmem>> -> memref<1x128x384xf32, #tpu.memory_space<vmem>>
          %dma_wait3A_271 = tpu.memref_squeeze %dma_wait3A_270 : memref<1x128x384xf32, #tpu.memory_space<vmem>> -> memref<128x384xf32, #tpu.memory_space<vmem>>
          %dma_wait3A_272 = arith.constant 0 : i32
          %dma_wait3A_273 = tpu.memref_slice %arg4[%mul3A_267, %dma_wait3A_272] : memref<32768x384xf32, #tpu.memory_space<hbm>> -> memref<128x384xf32, #tpu.memory_space<hbm>>
          %dma_wait3A_274 = tpu.memref_slice %run_scoped3A_9[%rem3A_265] : memref<2x!tpu.dma_semaphore, #tpu.memory_space<semaphore_mem>> -> memref<1x!tpu.dma_semaphore, #tpu.memory_space<semaphore_mem>>
          %dma_wait3A_275 = tpu.memref_squeeze %dma_wait3A_274 : memref<1x!tpu.dma_semaphore, #tpu.memory_space<semaphore_mem>> -> memref<!tpu.dma_semaphore, #tpu.memory_space<semaphore_mem>>
          %dma_wait3A_276 = arith.constant 0 : i32
          %dma_wait3A_277 = tpu.memref_slice %arg4[%mul3A_267, %dma_wait3A_276] : memref<32768x384xf32, #tpu.memory_space<hbm>> -> memref<128x384xf32, #tpu.memory_space<hbm>>
          %dma_wait3A_278 = arith.constant 0 : i32
          %dma_wait3A_279 = arith.constant 0 : i32
          %dma_wait3A_280 = tpu.memref_slice %run_scoped3A_8[%rem3A_265, %dma_wait3A_278, %dma_wait3A_279] : memref<2x128x384xf32, #tpu.memory_space<vmem>> -> memref<1x128x384xf32, #tpu.memory_space<vmem>>
          %dma_wait3A_281 = tpu.memref_squeeze %dma_wait3A_280 : memref<1x128x384xf32, #tpu.memory_space<vmem>> -> memref<128x384xf32, #tpu.memory_space<vmem>>
          tpu.wait_dma2 semaphore(%dma_wait3A_275 : memref<!tpu.dma_semaphore, #tpu.memory_space<semaphore_mem>>) src(%dma_wait3A_281 : memref<128x384xf32, #tpu.memory_space<vmem>>) dst(%dma_wait3A_277 : memref<128x384xf32, #tpu.memory_space<hbm>>)
          "tpu.trace_stop"() : () -> ()
        } else {
        }
        %and3A_244 = arith.constant true
        %and3A_245 = arith.andi %and3A_240, %and3A_244 : i1
        %add3A_246 = arith.constant 1 : i32
        %add3A_247 = arith.addi %scan3A_125, %add3A_246 : i32
        %select_n3A_248 = arith.select %and3A_245, %add3A_247, %scan3A_125 : i32
        %ne3A_249 = arith.cmpi ne, %add3A_131, %add3A_149 : i32
        %or3A_250 = arith.constant false
        %or3A_251 = arith.ori %or3A_250, %ne3A_249 : i1
        %or3A_252 = arith.ori %or3A_251, %eq3A_130 : i1
        %add3A_253 = arith.constant 1 : i32
        %add3A_254 = arith.addi %scan3A_123, %add3A_253 : i32
        %select_n3A_255 = arith.select %or3A_252, %add3A_254, %scan3A_123 : i32
        %add3A_256 = arith.constant 1 : i32
        %add3A_257 = arith.addi %scan3A_126, %add3A_256 : i32
        %select_n3A_258 = arith.constant true
        %select_n3A_259 = arith.select %select_n3A_258, %add3A_257, %scan3A_126 : i32
        %eq3A_260 = arith.constant 8 : i32
        %eq3A_261 = arith.cmpi eq, %select_n3A_259, %eq3A_260 : i32
        %select_n3A_262 = arith.constant 0 : i32
        %select_n3A_263 = arith.select %eq3A_261, %select_n3A_262, %select_n3A_259 : i32
        scf.yield %select_n3A_167, %select_n3A_255, %select_n3A_221, %select_n3A_248, %select_n3A_263 : i32, i32, i32, i32, i32
      }
      %scan3A_68 = arith.constant 8 : i32
      %sub3A = arith.constant 1 : i32
      %sub3A_69 = arith.subi %scan3A_67#4, %sub3A : i32
      %select_n3A_70 = arith.constant true
      %select_n3A_71 = arith.select %select_n3A_70, %sub3A_69, %scan3A_67#4 : i32
      %eq3A_72 = arith.constant -1 : i32
      %eq3A_73 = arith.cmpi eq, %select_n3A_71, %eq3A_72 : i32
      %select_n3A_74 = arith.constant 7 : i32
      %select_n3A_75 = arith.select %eq3A_73, %select_n3A_74, %select_n3A_71 : i32
      %add3A_76 = arith.addi %select_n3A_75, %mul3A_6 : i32
      %sub3A_77 = arith.constant 1 : i32
      %sub3A_78 = arith.subi %select_n3A_75, %sub3A_77 : i32
      %select_n3A_79 = arith.constant true
      %select_n3A_80 = arith.select %select_n3A_79, %sub3A_78, %select_n3A_75 : i32
      %eq3A_81 = arith.constant -1 : i32
      %eq3A_82 = arith.cmpi eq, %select_n3A_80, %eq3A_81 : i32
      %select_n3A_83 = arith.constant 7 : i32
      %select_n3A_84 = arith.select %eq3A_82, %select_n3A_83, %select_n3A_80 : i32
      %add3A_85 = arith.addi %select_n3A_84, %mul3A_6 : i32
      %add3A_86 = arith.constant 1 : i32
      %add3A_87 = arith.addi %select_n3A_75, %add3A_86 : i32
      %select_n3A_88 = arith.constant true
      %select_n3A_89 = arith.select %select_n3A_88, %add3A_87, %select_n3A_75 : i32
      %eq3A_90 = arith.constant 8 : i32
      %eq3A_91 = arith.cmpi eq, %select_n3A_89, %eq3A_90 : i32
      %select_n3A_92 = arith.constant 0 : i32
      %select_n3A_93 = arith.select %eq3A_91, %select_n3A_92, %select_n3A_89 : i32
      %add3A_94 = arith.addi %select_n3A_93, %mul3A_6 : i32
      %add3A_95 = arith.constant 1 : i32
      %add3A_96 = arith.addi %select_n3A_93, %add3A_95 : i32
      %select_n3A_97 = arith.constant true
      %select_n3A_98 = arith.select %select_n3A_97, %add3A_96, %select_n3A_93 : i32
      %eq3A_99 = arith.constant 8 : i32
      %eq3A_100 = arith.cmpi eq, %select_n3A_98, %eq3A_99 : i32
      %select_n3A_101 = arith.constant 0 : i32
      %select_n3A_102 = arith.select %eq3A_100, %select_n3A_101, %select_n3A_98 : i32
      %add3A_103 = arith.addi %select_n3A_102, %mul3A_6 : i32
      "tpu.trace_start"() <{level = 10 : i32, message = "ep_finalize"}> : () -> ()
      %rem3A_104 = arith.constant 2 : i32
      %rem3A_105 = arith.remui %scan3A_67#3, %rem3A_104 : i32
      %mul3A_106 = arith.constant 128 : i32
      %mul3A_107 = arith.muli %mul3A_106, %add3A_76 : i32
      %dma_wait3A = arith.constant 0 : i32
      %dma_wait3A_108 = arith.constant 0 : i32
      %dma_wait3A_109 = tpu.memref_slice %run_scoped3A_8[%rem3A_105, %dma_wait3A, %dma_wait3A_108] : memref<2x128x384xf32, #tpu.memory_space<vmem>> -> memref<1x128x384xf32, #tpu.memory_space<vmem>>
      %dma_wait3A_110 = tpu.memref_squeeze %dma_wait3A_109 : memref<1x128x384xf32, #tpu.memory_space<vmem>> -> memref<128x384xf32, #tpu.memory_space<vmem>>
      %dma_wait3A_111 = arith.constant 0 : i32
      %dma_wait3A_112 = tpu.memref_slice %arg4[%mul3A_107, %dma_wait3A_111] : memref<32768x384xf32, #tpu.memory_space<hbm>> -> memref<128x384xf32, #tpu.memory_space<hbm>>
      %dma_wait3A_113 = tpu.memref_slice %run_scoped3A_9[%rem3A_105] : memref<2x!tpu.dma_semaphore, #tpu.memory_space<semaphore_mem>> -> memref<1x!tpu.dma_semaphore, #tpu.memory_space<semaphore_mem>>
      %dma_wait3A_114 = tpu.memref_squeeze %dma_wait3A_113 : memref<1x!tpu.dma_semaphore, #tpu.memory_space<semaphore_mem>> -> memref<!tpu.dma_semaphore, #tpu.memory_space<semaphore_mem>>
      %dma_wait3A_115 = arith.constant 0 : i32
      %dma_wait3A_116 = tpu.memref_slice %arg4[%mul3A_107, %dma_wait3A_115] : memref<32768x384xf32, #tpu.memory_space<hbm>> -> memref<128x384xf32, #tpu.memory_space<hbm>>
      %dma_wait3A_117 = arith.constant 0 : i32
      %dma_wait3A_118 = arith.constant 0 : i32
      %dma_wait3A_119 = tpu.memref_slice %run_scoped3A_8[%rem3A_105, %dma_wait3A_117, %dma_wait3A_118] : memref<2x128x384xf32, #tpu.memory_space<vmem>> -> memref<1x128x384xf32, #tpu.memory_space<vmem>>
      %dma_wait3A_120 = tpu.memref_squeeze %dma_wait3A_119 : memref<1x128x384xf32, #tpu.memory_space<vmem>> -> memref<128x384xf32, #tpu.memory_space<vmem>>
      tpu.wait_dma2 semaphore(%dma_wait3A_114 : memref<!tpu.dma_semaphore, #tpu.memory_space<semaphore_mem>>) src(%dma_wait3A_120 : memref<128x384xf32, #tpu.memory_space<vmem>>) dst(%dma_wait3A_116 : memref<128x384xf32, #tpu.memory_space<hbm>>)
      "tpu.trace_stop"() : () -> ()
      tpu.yield
    }) : () -> ()
    return
  }
}

#map = affine_map<(d0, d1) -> (0, 0)>
module attributes {stable_mosaic.version = 14 : i64} {
  func.func @scatter_kernel(%arg0: i32, %arg1: i32, %arg2: memref<32768x384xf32, #tpu.memory_space<hbm>>, %arg3: memref<1x32768xi32, #tpu.memory_space<hbm>>, %arg4: memref<32768x384xf32, #tpu.memory_space<hbm>>) attributes {dimension_semantics = [#tpu.dimension_semantics<core_parallel>, #tpu.dimension_semantics<subcore_parallel>], iteration_bounds = array<i64: 2, 16>, scalar_prefetch = 0 : i64, scratch_operands = 0 : i64, tpu.core_type = #tpu.core_type<sc_vector_subcore>, window_params = [{transform_indices = #map}, {transform_indices = #map}, {transform_indices = #map}]} {
    %mul3A = arith.constant 1 : i32
    %mul3A_0 = arith.muli %arg1, %mul3A : i32
    %add3A = arith.constant 0 : i32
    %add3A_1 = arith.addi %add3A, %mul3A_0 : i32
    %mul3A_2 = arith.constant 16 : i32
    %mul3A_3 = arith.muli %arg0, %mul3A_2 : i32
    %add3A_4 = arith.addi %add3A_1, %mul3A_3 : i32
    %mul3A_5 = arith.constant 8 : i32
    %mul3A_6 = arith.muli %add3A_4, %mul3A_5 : i32
    "tpu.region"() ({
      %run_scoped3A = memref.alloca() : memref<2x128x384xf32, #tpu.memory_space<vmem>>
      %run_scoped3A_7 = tpu.sem_alloc : memref<2x!tpu.dma_semaphore, #tpu.memory_space<semaphore_mem>>
      %run_scoped3A_8 = memref.alloca() : memref<2x1x128xi32, #tpu.memory_space<vmem>>
      %run_scoped3A_9 = tpu.sem_alloc : memref<2x!tpu.dma_semaphore, #tpu.memory_space<semaphore_mem>>
      %add3A_10 = arith.constant 0 : i32
      %add3A_11 = arith.addi %add3A_10, %mul3A_6 : i32
      %select_n3A = arith.constant true
      %select_n3A_12 = arith.constant 0 : i32
      %select_n3A_13 = arith.constant -1 : i32
      %select_n3A_14 = arith.select %select_n3A, %select_n3A_13, %select_n3A_12 : i32
      %eq3A = arith.constant -1 : i32
      %eq3A_15 = arith.cmpi eq, %select_n3A_14, %eq3A : i32
      %select_n3A_16 = arith.constant 7 : i32
      %select_n3A_17 = arith.select %eq3A_15, %select_n3A_16, %select_n3A_14 : i32
      %add3A_18 = arith.addi %select_n3A_17, %mul3A_6 : i32
      %select_n3A_19 = arith.constant true
      %select_n3A_20 = arith.constant 0 : i32
      %select_n3A_21 = arith.constant 1 : i32
      %select_n3A_22 = arith.select %select_n3A_19, %select_n3A_21, %select_n3A_20 : i32
      %eq3A_23 = arith.constant 8 : i32
      %eq3A_24 = arith.cmpi eq, %select_n3A_22, %eq3A_23 : i32
      %select_n3A_25 = arith.constant 0 : i32
      %select_n3A_26 = arith.select %eq3A_24, %select_n3A_25, %select_n3A_22 : i32
      %add3A_27 = arith.addi %select_n3A_26, %mul3A_6 : i32
      %add3A_28 = arith.constant 1 : i32
      %add3A_29 = arith.addi %select_n3A_26, %add3A_28 : i32
      %select_n3A_30 = arith.constant true
      %select_n3A_31 = arith.select %select_n3A_30, %add3A_29, %select_n3A_26 : i32
      %eq3A_32 = arith.constant 8 : i32
      %eq3A_33 = arith.cmpi eq, %select_n3A_31, %eq3A_32 : i32
      %select_n3A_34 = arith.constant 0 : i32
      %select_n3A_35 = arith.select %eq3A_33, %select_n3A_34, %select_n3A_31 : i32
      %add3A_36 = arith.addi %select_n3A_35, %mul3A_6 : i32
      "tpu.trace_start"() <{level = 10 : i32, message = "ep_initialize_0"}> : () -> ()
      %rem3A = arith.constant 0 : i32
      %rem3A_37 = arith.constant 2 : i32
      %rem3A_38 = arith.remui %rem3A, %rem3A_37 : i32
      %mul3A_39 = arith.constant 128 : i32
      %mul3A_40 = arith.muli %mul3A_39, %add3A_11 : i32
      %dma_start3A = arith.constant 0 : i32
      %dma_start3A_41 = arith.constant 0 : i32
      %dma_start3A_42 = tpu.memref_slice %run_scoped3A[%rem3A_38, %dma_start3A, %dma_start3A_41] : memref<2x128x384xf32, #tpu.memory_space<vmem>> -> memref<1x128x384xf32, #tpu.memory_space<vmem>>
      %dma_start3A_43 = tpu.memref_squeeze %dma_start3A_42 : memref<1x128x384xf32, #tpu.memory_space<vmem>> -> memref<128x384xf32, #tpu.memory_space<vmem>>
      %dma_start3A_44 = arith.constant 0 : i32
      %dma_start3A_45 = tpu.memref_slice %arg2[%mul3A_40, %dma_start3A_44] : memref<32768x384xf32, #tpu.memory_space<hbm>> -> memref<128x384xf32, #tpu.memory_space<hbm>>
      %dma_start3A_46 = tpu.memref_slice %run_scoped3A_7[%rem3A_38] : memref<2x!tpu.dma_semaphore, #tpu.memory_space<semaphore_mem>> -> memref<1x!tpu.dma_semaphore, #tpu.memory_space<semaphore_mem>>
      %dma_start3A_47 = tpu.memref_squeeze %dma_start3A_46 : memref<1x!tpu.dma_semaphore, #tpu.memory_space<semaphore_mem>> -> memref<!tpu.dma_semaphore, #tpu.memory_space<semaphore_mem>>
      %dma_start3A_48 = arith.constant 0 : i32
      %dma_start3A_49 = arith.constant 0 : i32
      %dma_start3A_50 = tpu.memref_slice %run_scoped3A[%rem3A_38, %dma_start3A_48, %dma_start3A_49] : memref<2x128x384xf32, #tpu.memory_space<vmem>> -> memref<1x128x384xf32, #tpu.memory_space<vmem>>
      %dma_start3A_51 = tpu.memref_squeeze %dma_start3A_50 : memref<1x128x384xf32, #tpu.memory_space<vmem>> -> memref<128x384xf32, #tpu.memory_space<vmem>>
      %dma_start3A_52 = arith.constant 0 : i32
      %dma_start3A_53 = tpu.memref_slice %arg2[%mul3A_40, %dma_start3A_52] : memref<32768x384xf32, #tpu.memory_space<hbm>> -> memref<128x384xf32, #tpu.memory_space<hbm>>
      tpu.enqueue_dma source(%dma_start3A_53 : memref<128x384xf32, #tpu.memory_space<hbm>>) target(%dma_start3A_51 : memref<128x384xf32, #tpu.memory_space<vmem>>) target_semaphore(%dma_start3A_47 : memref<!tpu.dma_semaphore, #tpu.memory_space<semaphore_mem>>)
      %add3A_54 = arith.constant 0 : i32
      %add3A_55 = arith.constant 1 : i32
      %add3A_56 = arith.addi %add3A_54, %add3A_55 : i32
      %select_n3A_57 = arith.constant true
      %select_n3A_58 = arith.constant 0 : i32
      %select_n3A_59 = arith.select %select_n3A_57, %add3A_56, %select_n3A_58 : i32
      %rem3A_60 = arith.constant 0 : i32
      %rem3A_61 = arith.constant 2 : i32
      %rem3A_62 = arith.remui %rem3A_60, %rem3A_61 : i32
      %mul3A_63 = arith.constant 128 : i32
      %mul3A_64 = arith.muli %mul3A_63, %add3A_11 : i32
      %dma_start3A_65 = arith.constant 0 : i32
      %dma_start3A_66 = arith.constant 0 : i32
      %dma_start3A_67 = tpu.memref_slice %run_scoped3A_8[%rem3A_62, %dma_start3A_65, %dma_start3A_66] : memref<2x1x128xi32, #tpu.memory_space<vmem>> -> memref<1x1x128xi32, #tpu.memory_space<vmem>>
      %dma_start3A_68 = tpu.memref_squeeze %dma_start3A_67 : memref<1x1x128xi32, #tpu.memory_space<vmem>> -> memref<1x128xi32, #tpu.memory_space<vmem>>
      %dma_start3A_69 = arith.constant 0 : i32
      %dma_start3A_70 = tpu.memref_slice %arg3[%dma_start3A_69, %mul3A_64] : memref<1x32768xi32, #tpu.memory_space<hbm>> -> memref<1x128xi32, #tpu.memory_space<hbm>>
      %dma_start3A_71 = tpu.memref_slice %run_scoped3A_9[%rem3A_62] : memref<2x!tpu.dma_semaphore, #tpu.memory_space<semaphore_mem>> -> memref<1x!tpu.dma_semaphore, #tpu.memory_space<semaphore_mem>>
      %dma_start3A_72 = tpu.memref_squeeze %dma_start3A_71 : memref<1x!tpu.dma_semaphore, #tpu.memory_space<semaphore_mem>> -> memref<!tpu.dma_semaphore, #tpu.memory_space<semaphore_mem>>
      %dma_start3A_73 = arith.constant 0 : i32
      %dma_start3A_74 = arith.constant 0 : i32
      %dma_start3A_75 = tpu.memref_slice %run_scoped3A_8[%rem3A_62, %dma_start3A_73, %dma_start3A_74] : memref<2x1x128xi32, #tpu.memory_space<vmem>> -> memref<1x1x128xi32, #tpu.memory_space<vmem>>
      %dma_start3A_76 = tpu.memref_squeeze %dma_start3A_75 : memref<1x1x128xi32, #tpu.memory_space<vmem>> -> memref<1x128xi32, #tpu.memory_space<vmem>>
      %dma_start3A_77 = arith.constant 0 : i32
      %dma_start3A_78 = tpu.memref_slice %arg3[%dma_start3A_77, %mul3A_64] : memref<1x32768xi32, #tpu.memory_space<hbm>> -> memref<1x128xi32, #tpu.memory_space<hbm>>
      tpu.enqueue_dma source(%dma_start3A_78 : memref<1x128xi32, #tpu.memory_space<hbm>>) target(%dma_start3A_76 : memref<1x128xi32, #tpu.memory_space<vmem>>) target_semaphore(%dma_start3A_72 : memref<!tpu.dma_semaphore, #tpu.memory_space<semaphore_mem>>)
      %add3A_79 = arith.constant 0 : i32
      %add3A_80 = arith.constant 1 : i32
      %add3A_81 = arith.addi %add3A_79, %add3A_80 : i32
      %select_n3A_82 = arith.constant true
      %select_n3A_83 = arith.constant 0 : i32
      %select_n3A_84 = arith.select %select_n3A_82, %add3A_81, %select_n3A_83 : i32
      "tpu.trace_stop"() : () -> ()
      %scan3A = arith.constant 0 : i32
      %scan3A_85 = arith.constant 0 : i32
      %scan3A_86 = arith.constant 0 : i32
      %scan3A_87 = arith.constant 0 : i32
      %scan3A_88 = arith.constant 8 : i32
      %scan3A_89 = arith.addi %scan3A_87, %scan3A_88 : i32
      %scan3A_90 = arith.constant 1 : i32
      %scan3A_91:5 = scf.for %scan3A_128 = %scan3A_87 to %scan3A_89 step %scan3A_90 iter_args(%scan3A_129 = %select_n3A_59, %scan3A_130 = %scan3A, %scan3A_131 = %select_n3A_84, %scan3A_132 = %scan3A_85, %scan3A_133 = %scan3A_86) -> (i32, i32, i32, i32, i32)  : i32 {
        %eq3A_134 = arith.constant 0 : i32
        %eq3A_135 = arith.cmpi eq, %scan3A_128, %eq3A_134 : i32
        %eq3A_136 = arith.constant 7 : i32
        %eq3A_137 = arith.cmpi eq, %scan3A_128, %eq3A_136 : i32
        %add3A_138 = arith.addi %scan3A_133, %mul3A_6 : i32
        %sub3A_139 = arith.constant 1 : i32
        %sub3A_140 = arith.subi %scan3A_133, %sub3A_139 : i32
        %select_n3A_141 = arith.constant true
        %select_n3A_142 = arith.select %select_n3A_141, %sub3A_140, %scan3A_133 : i32
        %eq3A_143 = arith.constant -1 : i32
        %eq3A_144 = arith.cmpi eq, %select_n3A_142, %eq3A_143 : i32
        %select_n3A_145 = arith.constant 7 : i32
        %select_n3A_146 = arith.select %eq3A_144, %select_n3A_145, %select_n3A_142 : i32
        %add3A_147 = arith.addi %select_n3A_146, %mul3A_6 : i32
        %add3A_148 = arith.constant 1 : i32
        %add3A_149 = arith.addi %scan3A_133, %add3A_148 : i32
        %select_n3A_150 = arith.constant true
        %select_n3A_151 = arith.select %select_n3A_150, %add3A_149, %scan3A_133 : i32
        %eq3A_152 = arith.constant 8 : i32
        %eq3A_153 = arith.cmpi eq, %select_n3A_151, %eq3A_152 : i32
        %select_n3A_154 = arith.constant 0 : i32
        %select_n3A_155 = arith.select %eq3A_153, %select_n3A_154, %select_n3A_151 : i32
        %add3A_156 = arith.addi %select_n3A_155, %mul3A_6 : i32
        %add3A_157 = arith.constant 1 : i32
        %add3A_158 = arith.addi %select_n3A_155, %add3A_157 : i32
        %select_n3A_159 = arith.constant true
        %select_n3A_160 = arith.select %select_n3A_159, %add3A_158, %select_n3A_155 : i32
        %eq3A_161 = arith.constant 8 : i32
        %eq3A_162 = arith.cmpi eq, %select_n3A_160, %eq3A_161 : i32
        %select_n3A_163 = arith.constant 0 : i32
        %select_n3A_164 = arith.select %eq3A_162, %select_n3A_163, %select_n3A_160 : i32
        %add3A_165 = arith.addi %select_n3A_164, %mul3A_6 : i32
        %ne3A = arith.cmpi ne, %add3A_138, %add3A_156 : i32
        %or3A = arith.constant false
        %or3A_166 = arith.ori %or3A, %ne3A : i1
        %or3A_167 = arith.constant false
        %or3A_168 = arith.ori %or3A_166, %or3A_167 : i1
        %ge3A = arith.constant 7 : i32
        %ge3A_169 = arith.cmpi sge, %scan3A_128, %ge3A : i32
        %not3A = arith.constant true
        %not3A_170 = arith.xori %ge3A_169, %not3A : i1
        %and3A = arith.andi %or3A_168, %not3A_170 : i1
        %convert_element_type3A = arith.extui %and3A : i1 to i32
        %cond3A = arith.constant 0 : i32
        %cond3A_171 = arith.cmpi ne, %convert_element_type3A, %cond3A : i32
        scf.if %cond3A_171 {
          "tpu.trace_start"() <{level = 10 : i32, message = "ep_copy_in"}> : () -> ()
          %rem3A_282 = arith.constant 2 : i32
          %rem3A_283 = arith.remui %scan3A_129, %rem3A_282 : i32
          %mul3A_284 = arith.constant 128 : i32
          %mul3A_285 = arith.muli %mul3A_284, %add3A_156 : i32
          %dma_start3A_286 = arith.constant 0 : i32
          %dma_start3A_287 = arith.constant 0 : i32
          %dma_start3A_288 = tpu.memref_slice %run_scoped3A[%rem3A_283, %dma_start3A_286, %dma_start3A_287] : memref<2x128x384xf32, #tpu.memory_space<vmem>> -> memref<1x128x384xf32, #tpu.memory_space<vmem>>
          %dma_start3A_289 = tpu.memref_squeeze %dma_start3A_288 : memref<1x128x384xf32, #tpu.memory_space<vmem>> -> memref<128x384xf32, #tpu.memory_space<vmem>>
          %dma_start3A_290 = arith.constant 0 : i32
          %dma_start3A_291 = tpu.memref_slice %arg2[%mul3A_285, %dma_start3A_290] : memref<32768x384xf32, #tpu.memory_space<hbm>> -> memref<128x384xf32, #tpu.memory_space<hbm>>
          %dma_start3A_292 = tpu.memref_slice %run_scoped3A_7[%rem3A_283] : memref<2x!tpu.dma_semaphore, #tpu.memory_space<semaphore_mem>> -> memref<1x!tpu.dma_semaphore, #tpu.memory_space<semaphore_mem>>
          %dma_start3A_293 = tpu.memref_squeeze %dma_start3A_292 : memref<1x!tpu.dma_semaphore, #tpu.memory_space<semaphore_mem>> -> memref<!tpu.dma_semaphore, #tpu.memory_space<semaphore_mem>>
          %dma_start3A_294 = arith.constant 0 : i32
          %dma_start3A_295 = arith.constant 0 : i32
          %dma_start3A_296 = tpu.memref_slice %run_scoped3A[%rem3A_283, %dma_start3A_294, %dma_start3A_295] : memref<2x128x384xf32, #tpu.memory_space<vmem>> -> memref<1x128x384xf32, #tpu.memory_space<vmem>>
          %dma_start3A_297 = tpu.memref_squeeze %dma_start3A_296 : memref<1x128x384xf32, #tpu.memory_space<vmem>> -> memref<128x384xf32, #tpu.memory_space<vmem>>
          %dma_start3A_298 = arith.constant 0 : i32
          %dma_start3A_299 = tpu.memref_slice %arg2[%mul3A_285, %dma_start3A_298] : memref<32768x384xf32, #tpu.memory_space<hbm>> -> memref<128x384xf32, #tpu.memory_space<hbm>>
          tpu.enqueue_dma source(%dma_start3A_299 : memref<128x384xf32, #tpu.memory_space<hbm>>) target(%dma_start3A_297 : memref<128x384xf32, #tpu.memory_space<vmem>>) target_semaphore(%dma_start3A_293 : memref<!tpu.dma_semaphore, #tpu.memory_space<semaphore_mem>>)
          "tpu.trace_stop"() : () -> ()
        } else {
        }
        %and3A_172 = arith.constant true
        %and3A_173 = arith.andi %and3A, %and3A_172 : i1
        %add3A_174 = arith.constant 1 : i32
        %add3A_175 = arith.addi %scan3A_129, %add3A_174 : i32
        %select_n3A_176 = arith.select %and3A_173, %add3A_175, %scan3A_129 : i32
        %ne3A_177 = arith.cmpi ne, %add3A_138, %add3A_156 : i32
        %or3A_178 = arith.constant false
        %or3A_179 = arith.ori %or3A_178, %ne3A_177 : i1
        %ge3A_180 = arith.constant 7 : i32
        %ge3A_181 = arith.cmpi sge, %scan3A_128, %ge3A_180 : i32
        %not3A_182 = arith.constant true
        %not3A_183 = arith.xori %ge3A_181, %not3A_182 : i1
        %and3A_184 = arith.andi %or3A_179, %not3A_183 : i1
        %convert_element_type3A_185 = arith.extui %and3A_184 : i1 to i32
        %cond3A_186 = arith.constant 0 : i32
        %cond3A_187 = arith.cmpi ne, %convert_element_type3A_185, %cond3A_186 : i32
        scf.if %cond3A_187 {
          "tpu.trace_start"() <{level = 10 : i32, message = "ep_copy_in"}> : () -> ()
          %rem3A_282 = arith.constant 2 : i32
          %rem3A_283 = arith.remui %scan3A_131, %rem3A_282 : i32
          %mul3A_284 = arith.constant 128 : i32
          %mul3A_285 = arith.muli %mul3A_284, %add3A_156 : i32
          %dma_start3A_286 = arith.constant 0 : i32
          %dma_start3A_287 = arith.constant 0 : i32
          %dma_start3A_288 = tpu.memref_slice %run_scoped3A_8[%rem3A_283, %dma_start3A_286, %dma_start3A_287] : memref<2x1x128xi32, #tpu.memory_space<vmem>> -> memref<1x1x128xi32, #tpu.memory_space<vmem>>
          %dma_start3A_289 = tpu.memref_squeeze %dma_start3A_288 : memref<1x1x128xi32, #tpu.memory_space<vmem>> -> memref<1x128xi32, #tpu.memory_space<vmem>>
          %dma_start3A_290 = arith.constant 0 : i32
          %dma_start3A_291 = tpu.memref_slice %arg3[%dma_start3A_290, %mul3A_285] : memref<1x32768xi32, #tpu.memory_space<hbm>> -> memref<1x128xi32, #tpu.memory_space<hbm>>
          %dma_start3A_292 = tpu.memref_slice %run_scoped3A_9[%rem3A_283] : memref<2x!tpu.dma_semaphore, #tpu.memory_space<semaphore_mem>> -> memref<1x!tpu.dma_semaphore, #tpu.memory_space<semaphore_mem>>
          %dma_start3A_293 = tpu.memref_squeeze %dma_start3A_292 : memref<1x!tpu.dma_semaphore, #tpu.memory_space<semaphore_mem>> -> memref<!tpu.dma_semaphore, #tpu.memory_space<semaphore_mem>>
          %dma_start3A_294 = arith.constant 0 : i32
          %dma_start3A_295 = arith.constant 0 : i32
          %dma_start3A_296 = tpu.memref_slice %run_scoped3A_8[%rem3A_283, %dma_start3A_294, %dma_start3A_295] : memref<2x1x128xi32, #tpu.memory_space<vmem>> -> memref<1x1x128xi32, #tpu.memory_space<vmem>>
          %dma_start3A_297 = tpu.memref_squeeze %dma_start3A_296 : memref<1x1x128xi32, #tpu.memory_space<vmem>> -> memref<1x128xi32, #tpu.memory_space<vmem>>
          %dma_start3A_298 = arith.constant 0 : i32
          %dma_start3A_299 = tpu.memref_slice %arg3[%dma_start3A_298, %mul3A_285] : memref<1x32768xi32, #tpu.memory_space<hbm>> -> memref<1x128xi32, #tpu.memory_space<hbm>>
          tpu.enqueue_dma source(%dma_start3A_299 : memref<1x128xi32, #tpu.memory_space<hbm>>) target(%dma_start3A_297 : memref<1x128xi32, #tpu.memory_space<vmem>>) target_semaphore(%dma_start3A_293 : memref<!tpu.dma_semaphore, #tpu.memory_space<semaphore_mem>>)
          "tpu.trace_stop"() : () -> ()
        } else {
        }
        %and3A_188 = arith.constant true
        %and3A_189 = arith.andi %and3A_184, %and3A_188 : i1
        %add3A_190 = arith.constant 1 : i32
        %add3A_191 = arith.addi %scan3A_131, %add3A_190 : i32
        %select_n3A_192 = arith.select %and3A_189, %add3A_191, %scan3A_131 : i32
        %ne3A_193 = arith.cmpi ne, %add3A_138, %add3A_147 : i32
        %or3A_194 = arith.constant false
        %or3A_195 = arith.ori %or3A_194, %ne3A_193 : i1
        %or3A_196 = arith.constant false
        %or3A_197 = arith.ori %or3A_195, %or3A_196 : i1
        %or3A_198 = arith.ori %or3A_197, %eq3A_135 : i1
        %convert_element_type3A_199 = arith.extui %or3A_198 : i1 to i32
        %cond3A_200 = arith.constant 0 : i32
        %cond3A_201 = arith.cmpi ne, %convert_element_type3A_199, %cond3A_200 : i32
        scf.if %cond3A_201 {
          "tpu.trace_start"() <{level = 10 : i32, message = "ep_wait_in"}> : () -> ()
          %mul3A_282 = arith.constant 128 : i32
          %mul3A_283 = arith.muli %mul3A_282, %add3A_138 : i32
          %rem3A_284 = arith.constant 2 : i32
          %rem3A_285 = arith.remui %scan3A_130, %rem3A_284 : i32
          %dma_wait3A = arith.constant 0 : i32
          %dma_wait3A_286 = arith.constant 0 : i32
          %dma_wait3A_287 = tpu.memref_slice %run_scoped3A[%rem3A_285, %dma_wait3A, %dma_wait3A_286] : memref<2x128x384xf32, #tpu.memory_space<vmem>> -> memref<1x128x384xf32, #tpu.memory_space<vmem>>
          %dma_wait3A_288 = tpu.memref_squeeze %dma_wait3A_287 : memref<1x128x384xf32, #tpu.memory_space<vmem>> -> memref<128x384xf32, #tpu.memory_space<vmem>>
          %dma_wait3A_289 = arith.constant 0 : i32
          %dma_wait3A_290 = tpu.memref_slice %arg2[%mul3A_283, %dma_wait3A_289] : memref<32768x384xf32, #tpu.memory_space<hbm>> -> memref<128x384xf32, #tpu.memory_space<hbm>>
          %dma_wait3A_291 = tpu.memref_slice %run_scoped3A_7[%rem3A_285] : memref<2x!tpu.dma_semaphore, #tpu.memory_space<semaphore_mem>> -> memref<1x!tpu.dma_semaphore, #tpu.memory_space<semaphore_mem>>
          %dma_wait3A_292 = tpu.memref_squeeze %dma_wait3A_291 : memref<1x!tpu.dma_semaphore, #tpu.memory_space<semaphore_mem>> -> memref<!tpu.dma_semaphore, #tpu.memory_space<semaphore_mem>>
          %dma_wait3A_293 = arith.constant 0 : i32
          %dma_wait3A_294 = arith.constant 0 : i32
          %dma_wait3A_295 = tpu.memref_slice %run_scoped3A[%rem3A_285, %dma_wait3A_293, %dma_wait3A_294] : memref<2x128x384xf32, #tpu.memory_space<vmem>> -> memref<1x128x384xf32, #tpu.memory_space<vmem>>
          %dma_wait3A_296 = tpu.memref_squeeze %dma_wait3A_295 : memref<1x128x384xf32, #tpu.memory_space<vmem>> -> memref<128x384xf32, #tpu.memory_space<vmem>>
          %dma_wait3A_297 = arith.constant 0 : i32
          %dma_wait3A_298 = tpu.memref_slice %arg2[%mul3A_283, %dma_wait3A_297] : memref<32768x384xf32, #tpu.memory_space<hbm>> -> memref<128x384xf32, #tpu.memory_space<hbm>>
          tpu.wait_dma2 semaphore(%dma_wait3A_292 : memref<!tpu.dma_semaphore, #tpu.memory_space<semaphore_mem>>) src(%dma_wait3A_298 : memref<128x384xf32, #tpu.memory_space<hbm>>) dst(%dma_wait3A_296 : memref<128x384xf32, #tpu.memory_space<vmem>>)
          "tpu.trace_stop"() : () -> ()
        } else {
        }
        %ne3A_202 = arith.cmpi ne, %add3A_138, %add3A_147 : i32
        %or3A_203 = arith.constant false
        %or3A_204 = arith.ori %or3A_203, %ne3A_202 : i1
        %or3A_205 = arith.ori %or3A_204, %eq3A_135 : i1
        %convert_element_type3A_206 = arith.extui %or3A_205 : i1 to i32
        %cond3A_207 = arith.constant 0 : i32
        %cond3A_208 = arith.cmpi ne, %convert_element_type3A_206, %cond3A_207 : i32
        scf.if %cond3A_208 {
          "tpu.trace_start"() <{level = 10 : i32, message = "ep_wait_in"}> : () -> ()
          %mul3A_282 = arith.constant 128 : i32
          %mul3A_283 = arith.muli %mul3A_282, %add3A_138 : i32
          %rem3A_284 = arith.constant 2 : i32
          %rem3A_285 = arith.remui %scan3A_132, %rem3A_284 : i32
          %dma_wait3A = arith.constant 0 : i32
          %dma_wait3A_286 = arith.constant 0 : i32
          %dma_wait3A_287 = tpu.memref_slice %run_scoped3A_8[%rem3A_285, %dma_wait3A, %dma_wait3A_286] : memref<2x1x128xi32, #tpu.memory_space<vmem>> -> memref<1x1x128xi32, #tpu.memory_space<vmem>>
          %dma_wait3A_288 = tpu.memref_squeeze %dma_wait3A_287 : memref<1x1x128xi32, #tpu.memory_space<vmem>> -> memref<1x128xi32, #tpu.memory_space<vmem>>
          %dma_wait3A_289 = arith.constant 0 : i32
          %dma_wait3A_290 = tpu.memref_slice %arg3[%dma_wait3A_289, %mul3A_283] : memref<1x32768xi32, #tpu.memory_space<hbm>> -> memref<1x128xi32, #tpu.memory_space<hbm>>
          %dma_wait3A_291 = tpu.memref_slice %run_scoped3A_9[%rem3A_285] : memref<2x!tpu.dma_semaphore, #tpu.memory_space<semaphore_mem>> -> memref<1x!tpu.dma_semaphore, #tpu.memory_space<semaphore_mem>>
          %dma_wait3A_292 = tpu.memref_squeeze %dma_wait3A_291 : memref<1x!tpu.dma_semaphore, #tpu.memory_space<semaphore_mem>> -> memref<!tpu.dma_semaphore, #tpu.memory_space<semaphore_mem>>
          %dma_wait3A_293 = arith.constant 0 : i32
          %dma_wait3A_294 = arith.constant 0 : i32
          %dma_wait3A_295 = tpu.memref_slice %run_scoped3A_8[%rem3A_285, %dma_wait3A_293, %dma_wait3A_294] : memref<2x1x128xi32, #tpu.memory_space<vmem>> -> memref<1x1x128xi32, #tpu.memory_space<vmem>>
          %dma_wait3A_296 = tpu.memref_squeeze %dma_wait3A_295 : memref<1x1x128xi32, #tpu.memory_space<vmem>> -> memref<1x128xi32, #tpu.memory_space<vmem>>
          %dma_wait3A_297 = arith.constant 0 : i32
          %dma_wait3A_298 = tpu.memref_slice %arg3[%dma_wait3A_297, %mul3A_283] : memref<1x32768xi32, #tpu.memory_space<hbm>> -> memref<1x128xi32, #tpu.memory_space<hbm>>
          tpu.wait_dma2 semaphore(%dma_wait3A_292 : memref<!tpu.dma_semaphore, #tpu.memory_space<semaphore_mem>>) src(%dma_wait3A_298 : memref<1x128xi32, #tpu.memory_space<hbm>>) dst(%dma_wait3A_296 : memref<1x128xi32, #tpu.memory_space<vmem>>)
          "tpu.trace_stop"() : () -> ()
        } else {
        }
        %rem3A_209 = arith.constant 2 : i32
        %rem3A_210 = arith.remui %scan3A_130, %rem3A_209 : i32
        %rem3A_211 = arith.constant 2 : i32
        %rem3A_212 = arith.remui %scan3A_132, %rem3A_211 : i32
        %run_scoped3A_213 = arith.constant 0 : i32
        "tpu.trace_start"() <{level = 10 : i32, message = "ep_run_kernel"}> : () -> ()
        "tpu.region"() ({
          %run_scoped3A_282 = tpu.sem_alloc : memref<!tpu.dma_semaphore, #tpu.memory_space<semaphore_mem>>
          %dma_start3A_283 = arith.constant 0 : i32
          %dma_start3A_284 = arith.constant 0 : i32
          %dma_start3A_285 = tpu.memref_slice %run_scoped3A[%rem3A_210, %dma_start3A_283, %dma_start3A_284] : memref<2x128x384xf32, #tpu.memory_space<vmem>> -> memref<1x128x384xf32, #tpu.memory_space<vmem>>
          %dma_start3A_286 = tpu.memref_squeeze %dma_start3A_285 : memref<1x128x384xf32, #tpu.memory_space<vmem>> -> memref<128x384xf32, #tpu.memory_space<vmem>>
          %dma_start3A_287 = arith.constant 0 : i32
          %dma_start3A_288 = arith.constant 0 : i32
          %dma_start3A_289 = tpu.memref_slice %run_scoped3A_8[%rem3A_212, %dma_start3A_287, %dma_start3A_288] : memref<2x1x128xi32, #tpu.memory_space<vmem>> -> memref<1x1x128xi32, #tpu.memory_space<vmem>>
          %dma_start3A_290 = tpu.memref_squeeze %dma_start3A_289 : memref<1x1x128xi32, #tpu.memory_space<vmem>> -> memref<1x128xi32, #tpu.memory_space<vmem>>
          %dma_start3A_291 = arith.constant 0 : i32
          %dma_start3A_292 = tpu.memref_slice %dma_start3A_290[%run_scoped3A_213, %dma_start3A_291] : memref<1x128xi32, #tpu.memory_space<vmem>> -> memref<1x128xi32, #tpu.memory_space<vmem>>
          %dma_start3A_293 = tpu.memref_squeeze %dma_start3A_292 : memref<1x128xi32, #tpu.memory_space<vmem>> -> memref<128xi32, #tpu.memory_space<vmem>>
          %dma_start3A_294 = arith.constant 0 : i32
          %dma_start3A_295 = arith.constant 0 : i32
          %dma_start3A_296 = tpu.memref_slice %arg4[%dma_start3A_294, %dma_start3A_295] : memref<32768x384xf32, #tpu.memory_space<hbm>> -> memref<32768x384xf32, #tpu.memory_space<hbm>>
          tpu.enqueue_indirect_dma source(%dma_start3A_286 : memref<128x384xf32, #tpu.memory_space<vmem>>) target(%dma_start3A_296 : memref<32768x384xf32, #tpu.memory_space<hbm>>) offsets(%dma_start3A_293 : memref<128xi32, #tpu.memory_space<vmem>>) semaphore(%run_scoped3A_282 : memref<!tpu.dma_semaphore, #tpu.memory_space<semaphore_mem>>)
          %dma_wait3A = arith.constant 0 : i32
          %dma_wait3A_297 = arith.constant 0 : i32
          %dma_wait3A_298 = tpu.memref_slice %run_scoped3A[%rem3A_210, %dma_wait3A, %dma_wait3A_297] : memref<2x128x384xf32, #tpu.memory_space<vmem>> -> memref<1x128x384xf32, #tpu.memory_space<vmem>>
          %dma_wait3A_299 = tpu.memref_squeeze %dma_wait3A_298 : memref<1x128x384xf32, #tpu.memory_space<vmem>> -> memref<128x384xf32, #tpu.memory_space<vmem>>
          %dma_wait3A_300 = arith.constant 0 : i32
          %dma_wait3A_301 = arith.constant 0 : i32
          %dma_wait3A_302 = tpu.memref_slice %run_scoped3A_8[%rem3A_212, %dma_wait3A_300, %dma_wait3A_301] : memref<2x1x128xi32, #tpu.memory_space<vmem>> -> memref<1x1x128xi32, #tpu.memory_space<vmem>>
          %dma_wait3A_303 = tpu.memref_squeeze %dma_wait3A_302 : memref<1x1x128xi32, #tpu.memory_space<vmem>> -> memref<1x128xi32, #tpu.memory_space<vmem>>
          %dma_wait3A_304 = arith.constant 0 : i32
          %dma_wait3A_305 = tpu.memref_slice %dma_wait3A_303[%run_scoped3A_213, %dma_wait3A_304] : memref<1x128xi32, #tpu.memory_space<vmem>> -> memref<1x128xi32, #tpu.memory_space<vmem>>
          %dma_wait3A_306 = tpu.memref_squeeze %dma_wait3A_305 : memref<1x128xi32, #tpu.memory_space<vmem>> -> memref<128xi32, #tpu.memory_space<vmem>>
          %dma_wait3A_307 = arith.constant 0 : i32
          %dma_wait3A_308 = arith.constant 0 : i32
          %dma_wait3A_309 = tpu.memref_slice %arg4[%dma_wait3A_307, %dma_wait3A_308] : memref<32768x384xf32, #tpu.memory_space<hbm>> -> memref<32768x384xf32, #tpu.memory_space<hbm>>
          tpu.wait_indirect_dma semaphore(%run_scoped3A_282 : memref<!tpu.dma_semaphore, #tpu.memory_space<semaphore_mem>>) src(%dma_wait3A_299 : memref<128x384xf32, #tpu.memory_space<vmem>>) dst(%dma_wait3A_309 : memref<32768x384xf32, #tpu.memory_space<hbm>>)
          tpu.yield
        }) : () -> ()
        "tpu.trace_stop"() : () -> ()
        %ne3A_214 = arith.cmpi ne, %add3A_138, %add3A_156 : i32
        %or3A_215 = arith.constant false
        %or3A_216 = arith.ori %or3A_215, %ne3A_214 : i1
        %or3A_217 = arith.constant false
        %or3A_218 = arith.ori %or3A_216, %or3A_217 : i1
        %or3A_219 = arith.ori %or3A_218, %eq3A_137 : i1
        %convert_element_type3A_220 = arith.extui %or3A_219 : i1 to i32
        %cond3A_221 = arith.constant 0 : i32
        %cond3A_222 = arith.cmpi ne, %convert_element_type3A_220, %cond3A_221 : i32
        scf.if %cond3A_222 {
        } else {
        }
        %and3A_223 = arith.constant false
        %and3A_224 = arith.andi %or3A_219, %and3A_223 : i1
        %ne3A_225 = arith.cmpi ne, %add3A_138, %add3A_156 : i32
        %or3A_226 = arith.constant false
        %or3A_227 = arith.ori %or3A_226, %ne3A_225 : i1
        %or3A_228 = arith.ori %or3A_227, %eq3A_137 : i1
        %convert_element_type3A_229 = arith.extui %or3A_228 : i1 to i32
        %cond3A_230 = arith.constant 0 : i32
        %cond3A_231 = arith.cmpi ne, %convert_element_type3A_229, %cond3A_230 : i32
        scf.if %cond3A_231 {
        } else {
        }
        %and3A_232 = arith.constant false
        %and3A_233 = arith.andi %or3A_228, %and3A_232 : i1
        %ne3A_234 = arith.cmpi ne, %add3A_138, %add3A_147 : i32
        %or3A_235 = arith.constant false
        %or3A_236 = arith.ori %or3A_235, %ne3A_234 : i1
        %or3A_237 = arith.constant false
        %or3A_238 = arith.ori %or3A_236, %or3A_237 : i1
        %not3A_239 = arith.constant true
        %not3A_240 = arith.xori %eq3A_135, %not3A_239 : i1
        %and3A_241 = arith.andi %or3A_238, %not3A_240 : i1
        %convert_element_type3A_242 = arith.extui %and3A_241 : i1 to i32
        %cond3A_243 = arith.constant 0 : i32
        %cond3A_244 = arith.cmpi ne, %convert_element_type3A_242, %cond3A_243 : i32
        scf.if %cond3A_244 {
        } else {
        }
        %and3A_245 = arith.constant false
        %and3A_246 = arith.andi %and3A_241, %and3A_245 : i1
        %ne3A_247 = arith.cmpi ne, %add3A_138, %add3A_147 : i32
        %or3A_248 = arith.constant false
        %or3A_249 = arith.ori %or3A_248, %ne3A_247 : i1
        %not3A_250 = arith.constant true
        %not3A_251 = arith.xori %eq3A_135, %not3A_250 : i1
        %and3A_252 = arith.andi %or3A_249, %not3A_251 : i1
        %convert_element_type3A_253 = arith.extui %and3A_252 : i1 to i32
        %cond3A_254 = arith.constant 0 : i32
        %cond3A_255 = arith.cmpi ne, %convert_element_type3A_253, %cond3A_254 : i32
        scf.if %cond3A_255 {
        } else {
        }
        %and3A_256 = arith.constant false
        %and3A_257 = arith.andi %and3A_252, %and3A_256 : i1
        %ne3A_258 = arith.cmpi ne, %add3A_138, %add3A_156 : i32
        %or3A_259 = arith.constant false
        %or3A_260 = arith.ori %or3A_259, %ne3A_258 : i1
        %or3A_261 = arith.constant false
        %or3A_262 = arith.ori %or3A_260, %or3A_261 : i1
        %or3A_263 = arith.ori %or3A_262, %eq3A_137 : i1
        %add3A_264 = arith.constant 1 : i32
        %add3A_265 = arith.addi %scan3A_130, %add3A_264 : i32
        %select_n3A_266 = arith.select %or3A_263, %add3A_265, %scan3A_130 : i32
        %ne3A_267 = arith.cmpi ne, %add3A_138, %add3A_156 : i32
        %or3A_268 = arith.constant false
        %or3A_269 = arith.ori %or3A_268, %ne3A_267 : i1
        %or3A_270 = arith.ori %or3A_269, %eq3A_137 : i1
        %add3A_271 = arith.constant 1 : i32
        %add3A_272 = arith.addi %scan3A_132, %add3A_271 : i32
        %select_n3A_273 = arith.select %or3A_270, %add3A_272, %scan3A_132 : i32
        %add3A_274 = arith.constant 1 : i32
        %add3A_275 = arith.addi %scan3A_133, %add3A_274 : i32
        %select_n3A_276 = arith.constant true
        %select_n3A_277 = arith.select %select_n3A_276, %add3A_275, %scan3A_133 : i32
        %eq3A_278 = arith.constant 8 : i32
        %eq3A_279 = arith.cmpi eq, %select_n3A_277, %eq3A_278 : i32
        %select_n3A_280 = arith.constant 0 : i32
        %select_n3A_281 = arith.select %eq3A_279, %select_n3A_280, %select_n3A_277 : i32
        scf.yield %select_n3A_176, %select_n3A_266, %select_n3A_192, %select_n3A_273, %select_n3A_281 : i32, i32, i32, i32, i32
      }
      %scan3A_92 = arith.constant 8 : i32
      %sub3A = arith.constant 1 : i32
      %sub3A_93 = arith.subi %scan3A_91#4, %sub3A : i32
      %select_n3A_94 = arith.constant true
      %select_n3A_95 = arith.select %select_n3A_94, %sub3A_93, %scan3A_91#4 : i32
      %eq3A_96 = arith.constant -1 : i32
      %eq3A_97 = arith.cmpi eq, %select_n3A_95, %eq3A_96 : i32
      %select_n3A_98 = arith.constant 7 : i32
      %select_n3A_99 = arith.select %eq3A_97, %select_n3A_98, %select_n3A_95 : i32
      %add3A_100 = arith.addi %select_n3A_99, %mul3A_6 : i32
      %sub3A_101 = arith.constant 1 : i32
      %sub3A_102 = arith.subi %select_n3A_99, %sub3A_101 : i32
      %select_n3A_103 = arith.constant true
      %select_n3A_104 = arith.select %select_n3A_103, %sub3A_102, %select_n3A_99 : i32
      %eq3A_105 = arith.constant -1 : i32
      %eq3A_106 = arith.cmpi eq, %select_n3A_104, %eq3A_105 : i32
      %select_n3A_107 = arith.constant 7 : i32
      %select_n3A_108 = arith.select %eq3A_106, %select_n3A_107, %select_n3A_104 : i32
      %add3A_109 = arith.addi %select_n3A_108, %mul3A_6 : i32
      %add3A_110 = arith.constant 1 : i32
      %add3A_111 = arith.addi %select_n3A_99, %add3A_110 : i32
      %select_n3A_112 = arith.constant true
      %select_n3A_113 = arith.select %select_n3A_112, %add3A_111, %select_n3A_99 : i32
      %eq3A_114 = arith.constant 8 : i32
      %eq3A_115 = arith.cmpi eq, %select_n3A_113, %eq3A_114 : i32
      %select_n3A_116 = arith.constant 0 : i32
      %select_n3A_117 = arith.select %eq3A_115, %select_n3A_116, %select_n3A_113 : i32
      %add3A_118 = arith.addi %select_n3A_117, %mul3A_6 : i32
      %add3A_119 = arith.constant 1 : i32
      %add3A_120 = arith.addi %select_n3A_117, %add3A_119 : i32
      %select_n3A_121 = arith.constant true
      %select_n3A_122 = arith.select %select_n3A_121, %add3A_120, %select_n3A_117 : i32
      %eq3A_123 = arith.constant 8 : i32
      %eq3A_124 = arith.cmpi eq, %select_n3A_122, %eq3A_123 : i32
      %select_n3A_125 = arith.constant 0 : i32
      %select_n3A_126 = arith.select %eq3A_124, %select_n3A_125, %select_n3A_122 : i32
      %add3A_127 = arith.addi %select_n3A_126, %mul3A_6 : i32
      tpu.yield
    }) : () -> ()
    return
  }
}

module attributes {stable_mosaic.version = 14 : i64} {
  func.func @_mm_body(%arg0: i32, %arg1: i32, %arg2: memref<1x96xi32, #tpu.memory_space<smem>>, %arg3: memref<1x96xi32, #tpu.memory_space<smem>>, %arg4: memref<1x96xi32, #tpu.memory_space<smem>>, %arg5: memref<1x96xi32, #tpu.memory_space<smem>>, %arg6: memref<512x768xf32, #tpu.memory_space<vmem>>, %arg7: memref<1x768x768xf32, #tpu.memory_space<vmem>>, %arg8: memref<1x1x768xf32, #tpu.memory_space<vmem>>, %arg9: memref<512x768xf32, #tpu.memory_space<vmem>>) attributes {dimension_semantics = [#tpu.dimension_semantics<parallel>, #tpu.dimension_semantics<arbitrary>], iteration_bounds = array<i64: 1, 96>, scalar_prefetch = 4 : i64, scratch_operands = 0 : i64, tpu.core_type = #tpu.core_type<tc>, window_params = [{transform_indices = @transform_0, window_bounds = array<i64: 512, 768>}, {transform_indices = @transform_1, window_bounds = array<i64: 1, 768, 768>}, {transform_indices = @transform_2, window_bounds = array<i64: 1, 1, 768>}, {transform_indices = @transform_3, window_bounds = array<i64: 512, 768>}]} {
    %get3A = arith.index_cast %arg0 : i32 to index
    %get3A_0 = arith.index_cast %arg1 : i32 to index
    %get3A_1 = memref.load %arg3[%get3A, %get3A_0] : memref<1x96xi32, #tpu.memory_space<smem>>
    %sub3A = arith.constant 1 : i32
    %sub3A_2 = arith.subi %arg1, %sub3A : i32
    %max3A = arith.constant 0 : i32
    %max3A_3 = arith.maxsi %sub3A_2, %max3A : i32
    %get3A_4 = arith.index_cast %arg0 : i32 to index
    %get3A_5 = arith.index_cast %max3A_3 : i32 to index
    %get3A_6 = memref.load %arg3[%get3A_4, %get3A_5] : memref<1x96xi32, #tpu.memory_space<smem>>
    %eq3A = arith.constant 0 : i32
    %eq3A_7 = arith.cmpi eq, %arg1, %eq3A : i32
    %ne3A = arith.cmpi ne, %get3A_1, %get3A_6 : i32
    %or3A = arith.ori %eq3A_7, %ne3A : i1
    %convert_element_type3A = arith.extui %or3A : i1 to i32
    %cond3A = arith.constant 0 : i32
    %cond3A_8 = arith.cmpi ne, %convert_element_type3A, %cond3A : i32
    scf.if %cond3A_8 {
      %broadcast_in_dim3A = arith.constant 0.000000e+00 : f32
      %broadcast_in_dim3A_18 = vector.broadcast %broadcast_in_dim3A : f32 to vector<512x768xf32>
      %swap3A = arith.constant 0 : index
      %swap3A_19 = arith.constant 0 : index
      %swap3A_20 = vector.load %arg9[%swap3A, %swap3A_19] : memref<512x768xf32, #tpu.memory_space<vmem>>, vector<512x768xf32>
      tpu.vector_store %arg9[%swap3A, %swap3A_19], %broadcast_in_dim3A_18 {strides = array<i32>} : memref<512x768xf32, #tpu.memory_space<vmem>>, vector<512x768xf32>,
    } else {
    }
    %get3A_9 = arith.index_cast %arg0 : i32 to index
    %get3A_10 = arith.index_cast %arg1 : i32 to index
    %get3A_11 = memref.load %arg4[%get3A_9, %get3A_10] : memref<1x96xi32, #tpu.memory_space<smem>>
    %get3A_12 = arith.index_cast %arg0 : i32 to index
    %get3A_13 = arith.index_cast %arg1 : i32 to index
    %get3A_14 = memref.load %arg5[%get3A_12, %get3A_13] : memref<1x96xi32, #tpu.memory_space<smem>>
    %gt3A = arith.cmpi sgt, %get3A_14, %get3A_11 : i32
    %convert_element_type3A_15 = arith.extui %gt3A : i1 to i32
    %cond3A_16 = arith.constant 0 : i32
    %cond3A_17 = arith.cmpi ne, %convert_element_type3A_15, %cond3A_16 : i32
    scf.if %cond3A_17 {
      %mul3A = arith.constant 512 : i32
      %mul3A_18 = arith.muli %get3A_1, %mul3A : i32
      %iota3A = tpu.iota {dimensions = array<i32: 0>} : vector<512x1xi32>
      %add3A = vector.broadcast %mul3A_18 : i32 to vector<512x1xi32>
      %add3A_19 = arith.addi %add3A, %iota3A : vector<512x1xi32>
      %ge3A = vector.broadcast %get3A_11 : i32 to vector<512x1xi32>
      %ge3A_20 = arith.cmpi sge, %add3A_19, %ge3A : vector<512x1xi32>
      %lt3A = vector.broadcast %get3A_14 : i32 to vector<512x1xi32>
      %lt3A_21 = arith.cmpi slt, %add3A_19, %lt3A : vector<512x1xi32>
      %and3A = arith.andi %ge3A_20, %lt3A_21 : vector<512x1xi1>
      %get3A_22 = arith.constant 0 : index
      %get3A_23 = arith.constant 0 : index
      %get3A_24 = vector.load %arg6[%get3A_22, %get3A_23] : memref<512x768xf32, #tpu.memory_space<vmem>>, vector<512x768xf32>
      %convert_element_type3A_25 = arith.truncf %get3A_24 : vector<512x768xf32> to vector<512x768xbf16>
      %get3A_26 = arith.constant 0 : index
      %get3A_27 = arith.constant 0 : index
      %get3A_28 = arith.constant 0 : index
      %get3A_29 = vector.load %arg7[%get3A_26, %get3A_27, %get3A_28] : memref<1x768x768xf32, #tpu.memory_space<vmem>>, vector<1x768x768xf32>
      %get3A_30 = vector.shape_cast %get3A_29 : vector<1x768x768xf32> to vector<768x768xf32>
      %convert_element_type3A_31 = arith.truncf %get3A_30 : vector<768x768xf32> to vector<768x768xbf16>
      %dot_general3A = arith.constant dense<0.000000e+00> : vector<512x768xf32>
      %dot_general3A_32 = tpu.matmul %convert_element_type3A_25, %convert_element_type3A_31, %dot_general3A {dimension_numbers = #tpu.dot_dimension_numbers<[1], [1], [0], [0], [0, 0, 1, 0], [], []>, transpose_lhs_hint = false} : vector<512x768xbf16>, vector<768x768xbf16>, vector<512x768xf32> -> vector<512x768xf32>
      %get3A_33 = arith.constant 0 : index
      %get3A_34 = arith.constant 0 : index
      %get3A_35 = arith.constant 0 : index
      %get3A_36 = vector.load %arg8[%get3A_33, %get3A_34, %get3A_35] : memref<1x1x768xf32, #tpu.memory_space<vmem>>, vector<1x1x768xf32>
      %get3A_37 = vector.shape_cast %get3A_36 : vector<1x1x768xf32> to vector<1x768xf32>
      %add3A_38 = vector.broadcast %get3A_37 : vector<1x768xf32> to vector<512x768xf32>
      %add3A_39 = arith.addf %dot_general3A_32, %add3A_38 : vector<512x768xf32>
      %get3A_40 = arith.constant 0 : index
      %get3A_41 = arith.constant 0 : index
      %get3A_42 = vector.load %arg9[%get3A_40, %get3A_41] : memref<512x768xf32, #tpu.memory_space<vmem>>, vector<512x768xf32>
      %jit3A = arith.constant 0.000000e+00 : f32
      %broadcast_in_dim3A = vector.shape_cast %and3A : vector<512x1xi1> to vector<512x1xi1>
      %broadcast_in_dim3A_43 = vector.broadcast %broadcast_in_dim3A : vector<512x1xi1> to vector<512x768xi1>
      %broadcast_in_dim3A_44 = vector.broadcast %jit3A : f32 to vector<512x768xf32>
      %select_n3A = arith.select %broadcast_in_dim3A_43, %add3A_39, %broadcast_in_dim3A_44 : vector<512x768xi1>, vector<512x768xf32>
      %add3A_45 = arith.addf %get3A_42, %select_n3A : vector<512x768xf32>
      %swap3A = arith.constant 0 : index
      %swap3A_46 = arith.constant 0 : index
      %swap3A_47 = vector.load %arg9[%swap3A, %swap3A_46] : memref<512x768xf32, #tpu.memory_space<vmem>>, vector<512x768xf32>
      tpu.vector_store %arg9[%swap3A, %swap3A_46], %add3A_45 {strides = array<i32>} : memref<512x768xf32, #tpu.memory_space<vmem>>, vector<512x768xf32>,
    } else {
    }
    return
  }
  func.func @transform_0(%arg0: i32, %arg1: i32, %arg2: memref<1x96xi32, #tpu.memory_space<smem>>, %arg3: memref<1x96xi32, #tpu.memory_space<smem>>, %arg4: memref<1x96xi32, #tpu.memory_space<smem>>, %arg5: memref<1x96xi32, #tpu.memory_space<smem>>) -> (i32, i32) {
    %get3A = arith.index_cast %arg0 : i32 to index
    %get3A_0 = arith.index_cast %arg1 : i32 to index
    %get3A_1 = memref.load %arg3[%get3A, %get3A_0] : memref<1x96xi32, #tpu.memory_space<smem>>
    %c0_i32 = arith.constant 0 : i32
    %c0_i32_2 = arith.constant 0 : i32
    return %get3A_1, %c0_i32 : i32, i32
  }
  func.func @transform_1(%arg0: i32, %arg1: i32, %arg2: memref<1x96xi32, #tpu.memory_space<smem>>, %arg3: memref<1x96xi32, #tpu.memory_space<smem>>, %arg4: memref<1x96xi32, #tpu.memory_space<smem>>, %arg5: memref<1x96xi32, #tpu.memory_space<smem>>) -> (i32, i32, i32) {
    %get3A = arith.index_cast %arg0 : i32 to index
    %get3A_0 = arith.index_cast %arg1 : i32 to index
    %get3A_1 = memref.load %arg2[%get3A, %get3A_0] : memref<1x96xi32, #tpu.memory_space<smem>>
    %c0_i32 = arith.constant 0 : i32
    %c0_i32_2 = arith.constant 0 : i32
    %c0_i32_3 = arith.constant 0 : i32
    return %get3A_1, %c0_i32, %c0_i32_2 : i32, i32, i32
  }
  func.func @transform_2(%arg0: i32, %arg1: i32, %arg2: memref<1x96xi32, #tpu.memory_space<smem>>, %arg3: memref<1x96xi32, #tpu.memory_space<smem>>, %arg4: memref<1x96xi32, #tpu.memory_space<smem>>, %arg5: memref<1x96xi32, #tpu.memory_space<smem>>) -> (i32, i32, i32) {
    %get3A = arith.index_cast %arg0 : i32 to index
    %get3A_0 = arith.index_cast %arg1 : i32 to index
    %get3A_1 = memref.load %arg2[%get3A, %get3A_0] : memref<1x96xi32, #tpu.memory_space<smem>>
    %c0_i32 = arith.constant 0 : i32
    %c0_i32_2 = arith.constant 0 : i32
    %c0_i32_3 = arith.constant 0 : i32
    return %get3A_1, %c0_i32, %c0_i32_2 : i32, i32, i32
  }
  func.func @transform_3(%arg0: i32, %arg1: i32, %arg2: memref<1x96xi32, #tpu.memory_space<smem>>, %arg3: memref<1x96xi32, #tpu.memory_space<smem>>, %arg4: memref<1x96xi32, #tpu.memory_space<smem>>, %arg5: memref<1x96xi32, #tpu.memory_space<smem>>) -> (i32, i32) {
    %get3A = arith.index_cast %arg0 : i32 to index
    %get3A_0 = arith.index_cast %arg1 : i32 to index
    %get3A_1 = memref.load %arg3[%get3A, %get3A_0] : memref<1x96xi32, #tpu.memory_space<smem>>
    %c0_i32 = arith.constant 0 : i32
    %c0_i32_2 = arith.constant 0 : i32
    return %get3A_1, %c0_i32 : i32, i32
  }
}

</mosaic_0001>

<sc_bundles>
// kernel: kernel.5.cloned.1.call-start
scs
__scs_entry_jumppad:
0x0: {  	(pc) =	sbr.rel $0x88, $3  }
0x1: {  	(tag) =	ssettag $0x0;
	lr =	simm.s32 $0x1  }
0x2: {  	[smem:$0x3F9C] =	sst lr;
	_ =	strace $0xD0000000  }
0x3: {  	_ = 	snop  }
0x4: {  	_ = 	snop  }
0x5: {  	_ = 	snop  }
0x6: {  	_ = 	snop  }
0x7: {  	_ = 	snop  }
__scs_overlays_trampoline_lowered:
0x8: {  	[smem:$0x3FAB] =	sst s0  }
0x9: {  	[smem:$0x3FAC] =	sst s1  }
0xa: {  	[smem:$0x3FAD] =	sst s2  }
0xb: {  	[smem:$0x3FAE] =	sst s3  }
0xc: {  	[smem:$0x3FAF] =	sst s4  }
0xd: {  	[smem:$0x3FB0] =	sst s5  }
0xe: {  	[smem:$0x3FB1] =	sst s6  }
0xf: {  	[smem:$0x3FB2] =	sst s7  }
0x10: {  	[smem:$0x3FB3] =	sst s8  }
0x11: {  	[smem:$0x3FB4] =	sst s9;
	s0 =	simm.s32 @!p0 $0x0  }
0x12: {  	s1 =	sld [smem:$0x3F9A];
	s0 =	simm.s32 @p0 $0x1  }
0x13: {  	[smem:$0x3FB5] =	sst s0;
	s0 =	simm.s32 @!p1 $0x0  }
0x14: {  	s2 =	sld [smem:$0x3F99];
	s0 =	simm.s32 @p1 $0x1  }
0x15: {  	[smem:$0x3FB6] =	sst s0;
	s0 =	simm.s32 @!p2 $0x0  }
0x16: {  	s3 =	sld [smem:$0x3FDB];
	s0 =	simm.s32 @p2 $0x1  }
0x17: {  	s4 =	simm.s32 $0x1BF5;
	[smem:$0x3FB8] =	sst s0  }
0x18: {  	s0 =	sld [smem:$0x3F9B];
	_ =	swait.ge [sflag:s4], $0x0  }
0x19: {  	s7 =	sld [smem:$0x3F9C]  }
0x1a: {  	s8 =	sadd.s32 $0xFFFFE003, lr  }
0x1b: {  	s9 =	sadd.s32 $0xFFFFFEF7, lr;
	s5 =	simm.s32 $0xFFFFFFFF;
	p2 =	slt.u32 s8, $0xFFFFF086  }
0x1c: {  	p1 =	slt.u32 s9, $0xF7A;
	s5 =	simm.s32 @!p2 $0x0  }
0x1d: {  	s5 =	simm.s32 @p1 $0x1;
	p0 =	seq.s32 s7, s2  }
0x1e: {  	s7 =	smul.u32 @!p0 $0xF7A, s2;
	p2 =	seq.s32 @!p0 s5, $0x0  }
0x1f: {  	s9 =	smul.u32 $0xF7A, s1;
	s8 =	simm.s32 @!p0 $0x1BF5;
	p2 =	por !p2, p0  }
0x20: {  	[sflag:s8] =	ssyncset.s32 @!p0 $0xFFFFF086;
	s6 =	sadd.s32 @!p0 s3, s7;
	s7 =	simm.s32 @!p0 $0x108  }
0x21: {  	s3 =	sadd.s32 s3, s9;
	s6 =	sadd.s32 @!p0 $0x88, s6;
	s7 =	simm.s32 @p2 $0x1082  }
0x22: {  	[simem:s7], [sflag:s8] =	dma.local @!p0 [hbm:s6], $0xF7A  }
0x23: {  	s9 =	sor.u32 $0xD0000000, s2;
	s6 =	simm.s32 $0x108;
	_ =	swait.ge @!p0 [sflag:s8], $0x0  }
0x24: {  	s3 =	sadd.s32 $0x88, s3;
	s6 =	simm.s32 @!p1 $0x1082;
	[sflag:s4] =	ssyncset.s32 $0xFFFFF086  }
0x25: {  	[simem:s6], [sflag:s4] =	dma.local [hbm:s3], $0xF7A  }
0x26: {  	[smem:$0x3F9C] =	sst s1;
	(tag) =	ssettag s2;
	_ =	strace s9  }
0x27: {  	s1 =	sld [smem:$0x3FAC]  }
0x28: {  	s2 =	sld [smem:$0x3FAD]  }
0x29: {  	s4 =	sld [smem:$0x3FAF]  }
0x2a: {  	p0 =	seq.s32 s5, $0x0;
	s5 =	sld [smem:$0x3FB0]  }
0x2b: {  	s6 =	sld [smem:$0x3FB1]  }
0x2c: {  	s7 =	sld [smem:$0x3FB2]  }
0x2d: {  	s3 =	simm.s32 $0x108;
	s8 =	sld [smem:$0x3FB3]  }
0x2e: {  	s3 =	simm.s32 @!p0 $0x1082;
	s9 =	sld [smem:$0x3FB4]  }
0x2f: {  	lr =	sadd.s32 s0, s3;
	s0 =	sld [smem:$0x3FAB]  }
0x30: {  	s3 =	sld [smem:$0x3FAE]  }
0x31: {  	[smem:$0x3FB7] =	sst s10  }
0x32: {  	s10 =	sld [smem:$0x3FB5];
	_ =	sdelay $0x3  }
0x33: {  	p0 =	seq.s32 s10, $0x1;
	s10 =	sld [smem:$0x3FB7];
	_ =	sdelay $0x3  }
0x34: {  	[smem:$0x3FB7] =	sst s10  }
0x35: {  	s10 =	sld [smem:$0x3FB6];
	_ =	sdelay $0x3  }
0x36: {  	p1 =	seq.s32 s10, $0x1;
	s10 =	sld [smem:$0x3FB7];
	_ =	sdelay $0x3  }
0x37: {  	[smem:$0x3FB7] =	sst s10  }
0x38: {  	s10 =	sld [smem:$0x3FB8]  }
0x39: {  	_ = 	snop;
	(pc) =	sbr.ind lr, $3  }
0x3a: {  	_ = 	snop  }
0x3b: {  	_ = 	snop  }
0x3c: {  	p2 =	seq.s32 s10, $0x1;
	s10 =	sld [smem:$0x3FB7]  }
0x3d: {  	_ =	shalt  }
0x3e: {  	_ =	shalt  }
0x3f: {  	_ =	shalt  }
0x40: {  	_ =	shalt  }
0x41: {  	_ =	shalt  }
0x42: {  	_ =	shalt  }
0x43: {  	_ =	shalt  }
0x44: {  	_ =	shalt  }
0x45: {  	_ =	shalt  }
0x46: {  	_ =	shalt  }
0x47: {  	_ =	shalt  }
0x48: {  	_ =	shalt  }
0x49: {  	_ =	shalt  }
0x4a: {  	_ =	shalt  }
0x4b: {  	_ =	shalt  }
0x4c: {  	_ =	shalt  }
0x4d: {  	_ =	shalt  }
0x4e: {  	_ =	shalt  }
0x4f: {  	_ =	shalt  }
0x50: {  	_ =	shalt  }
0x51: {  	_ =	shalt  }
0x52: {  	_ =	shalt  }
0x53: {  	_ =	shalt  }
0x54: {  	_ =	shalt  }
0x55: {  	_ =	shalt  }
0x56: {  	_ =	shalt  }
0x57: {  	_ =	shalt  }
0x58: {  	_ =	shalt  }
0x59: {  	_ =	shalt  }
0x5a: {  	_ =	shalt  }
0x5b: {  	_ =	shalt  }
0x5c: {  	_ =	shalt  }
0x5d: {  	_ =	shalt  }
0x5e: {  	_ =	shalt  }
0x5f: {  	_ =	shalt  }
0x60: {  	_ =	shalt  }
0x61: {  	_ =	shalt  }
0x62: {  	_ =	shalt  }
0x63: {  	_ =	shalt  }
0x64: {  	_ =	shalt  }
0x65: {  	_ =	shalt  }
0x66: {  	_ =	shalt  }
0x67: {  	_ =	shalt  }
0x68: {  	_ =	shalt  }
0x69: {  	_ =	shalt  }
0x6a: {  	_ =	shalt  }
0x6b: {  	_ =	shalt  }
0x6c: {  	_ =	shalt  }
0x6d: {  	_ =	shalt  }
0x6e: {  	_ =	shalt  }
0x6f: {  	_ =	shalt  }
0x70: {  	_ =	shalt  }
0x71: {  	_ =	shalt  }
0x72: {  	_ =	shalt  }
0x73: {  	_ =	shalt  }
0x74: {  	_ =	shalt  }
0x75: {  	_ =	shalt  }
0x76: {  	_ =	shalt  }
0x77: {  	_ =	shalt  }
0x78: {  	_ =	shalt  }
0x79: {  	_ =	shalt  }
0x7a: {  	_ =	shalt  }
0x7b: {  	_ =	shalt  }
0x7c: {  	_ =	shalt  }
0x7d: {  	_ =	shalt  }
0x7e: {  	_ =	shalt  }
0x7f: {  	_ =	shalt  }
0x80: {  	_ =	shalt  }
0x81: {  	_ =	shalt  }
0x82: {  	_ =	shalt  }
0x83: {  	_ =	shalt  }
0x84: {  	_ =	shalt  }
0x85: {  	_ =	shalt  }
0x86: {  	_ =	shalt  }
0x87: {  	_ =	shalt  }
.Lfunc_end0:
.L_simem_size_0:
called_computation.1_lowered:
.L_overlay_start_0:
0x88: {  	s2 =	sld [smem:$0x3FD9]  }
0x89: {  	s3 =	sld [smem:$0x3FFE];
	_ =	sdelay $0x1  }
0x8a: {  	s1 =	srdreg.scid  }
0x8b: {  	s0 =	sand.u32 $0x1, s1  }
0x8c: {  	s17 =	sshll.u32 s0, $0xA;
	s2 =	sadd.s32 s3, s2  }
0x8d: {  	s2 =	sadd.s32 s2, s17  }
0x8e: {  	[smem:$0x3FC3] =	sst s2  }
0x8f: {  	_ = 	snop  }
0x90: {  	s18 =	sld [smem:$0x3FD0];
	(tm) =	ssettm $0x1  }
0x91: {  	s19 =	sld [smem:$0x3FFB];
	_ =	sdelay $0x3  }
0x92: {  	_ =	strace s19  }
0x93: {  	s2 =	sld [smem:$0x3FFC];
	_ =	sdelay $0x3  }
0x94: {  	_ =	strace s2  }
0x95: {  	s2 =	sld [smem:$0x3FFD];
	_ =	sdelay $0x3  }
0x96: {  	_ =	strace s2  }
0x97: {  	_ =	strace $0x8FFFFFFF  }
0x98: {  	s20 =	sld [smem:$0x3FDB];
	_ =	sdelay $0x1  }
0x99: {  	s4 =	simm.s32 $_scs_section_size  }
0x9a: {  	s5 =	simm.s32 $_size__tile_overlayer_lowered;
	s6 =	simm.s32 $_tile_overlayer_lowered  }
0x9b: {  	s7 =	simm.s32 $0x1BFF;
	s21 =	sshll.u32 s6, $0x1;
	s4 =	sadd.s32 s4, s20  }
0x9c: {  	s22 =	simm.s32 $0x0;
	s5 =	sshll.u32 s5, $0x1;
	s6 =	sadd.s32 s21, s4  }
0x9d: {  	[timem:s22], [sflag:s7] =	dma.local [hbm:s6], s5  }
0x9e: {  	_ =	swait.ge [sflag:s7], s5  }
0x9f: {  	s5 =	ssub.s32 $0x0, s5;
	[sflag:s7] =	ssyncset.done $0x0  }
0xa0: {  	[sflag:s7] =	ssyncadd.s32 s5;
	_ =	sdelay $0x1  }
0xa1: {  	s23 =	simm.s32 $0x1B8B  }
0xa2: {  	_ =	swait.ge [sflag:s23], $0x1  }
0xa3: {  	[sflag:s23] =	ssyncset.done $0x0  }
0xa4: {  	[sflag:s23] =	ssyncadd.s32 $0xFFFFFFFF  }
0xa5: {  	s5 =	sld [smem:$0x0]  }
0xa6: {  	s6 =	sand.u32 $0xFFFFFFFE, s1  }
0xa7: {  	p0 =	sne.s32 s1, s6  }
0xa8: {  	s6 =	sshll.u32 @p0 s6, $0xE  }
0xa9: {  	s6 =	sadd.s32 @p0 $0x11B8D, s6;
	s7 =	sshll.u32 @p0 s5, $0x11  }
0xaa: {  	s6 =	sor.u32 @p0 s7, s6  }
0xab: {  	[sflag:s6] =	ssyncadd.remote.s32 @p0 $0x1;
	_ =	sdelay $0x1  }
0xac: {  	s6 =	simm.s32 @p0 $0x1B8D  }
0xad: {  	_ =	swait.eq @p0 [sflag:s6], $0x1  }
0xae: {  	[sflag:s6] =	ssyncadd.s32 @p0 $0xFFFFFFFF  }
0xaf: {  	s7 =	sshll.u32 @!p0 s1, $0xE  }
0xb0: {  	s7 =	sor.u32 @!p0 $0x4000, s7;
	s6 =	simm.s32 @!p0 $0x1B8D  }
0xb1: {  	s5 =	sshll.u32 @!p0 s5, $0x11;
	s7 =	sadd.s32 @!p0 $0x11B8D, s7;
	_ =	swait.eq @!p0 [sflag:s6], $0x1  }
0xb2: {  	s5 =	sor.u32 @!p0 s5, s7;
	[sflag:s6] =	ssyncadd.s32 @!p0 $0xFFFFFFFF  }
0xb3: {  	s25 =	simm.s32 $0x1B8E;
	s24 =	sld [smem:$0x3FFE];
	[sflag:s5] =	ssyncadd.remote.s32 @!p0 $0x1  }
0xb4: {  	s26 =	simm.s32 $execute0_lowered;
	[smem:$0x3FD2] =	sst s25  }
0xb5: {  	s6 =	sshll.u32 s26, $0x1;
	_ =	strace $0x80000049;
	[dreg:$0x1] =	wrdreg $0xFFFFFFFF  }
0xb6: {  	s28 =	simm.s32 $_size_execute0_lowered;
	s4 =	sadd.s32 s4, s6;
	[dreg:$0x0] =	wrdreg $0x0  }
0xb7: {  	s6 =	sshll.u32 s28, $0x1;
	[dreg:$0x2] =	wrdreg s4  }
0xb8: {  	[dreg:$0x3] =	wrdreg s6  }
0xb9: {  	[dreg:$0x4] =	wrdreg $0xC0  }
0xba: {  	_ =	task [dreg:s22], $0x5FFFF  }
0xbb: {  	[dreg:$0x1] =	wrdreg $0xFFFFFFFF  }
0xbc: {  	[dreg:$0x0] =	wrdreg $0x60  }
0xbd: {  	[dreg:$0x2] =	wrdreg s18  }
0xbe: {  	[dreg:$0x3] =	wrdreg s24  }
0xbf: {  	[dreg:$0x4] =	wrdreg $0xA  }
0xc0: {  	_ =	task.clear_ibuf [dreg:s22], $0x5FFFF;
	_ =	strace $0x90000049  }
0xc1: {  	s29 =	simm.s32 $0xA;
	_ =	strace $0x80000052  }
0xc2: {  	_ =	swait.ge [sflag:s29], $0x1  }
0xc3: {  	[sflag:s29] =	ssyncadd.s32 $0xFFFFFFFF  }
0xc4: {  	_ =	strace $0x90000052  }
0xc5: {  	_ =	sfence  }
0xc6: {  	s30 =	sld [smem:$0x0];
	_ =	sdelay $0x2  }
0xc7: {  	s31 =	sshll.u32 s1, $0xD;
	s1 =	sshrl.u32 s1, $0x2  }
0xc8: {  	s4 =	sand.u32 $0x4000, s31;
	s1 =	sadd.s32 s1, s30  }
0xc9: {  	s0 =	sor.u32 s4, s0;
	s1 =	sshll.u32 s1, $0x11  }
0xca: {  	s0 =	sor.u32 s1, s0  }
0xcb: {  	s0 =	sadd.s32 $0x8F2B, s0  }
0xcc: {  	[sflag:s0] =	ssyncadd.remote.s32 $0x1  }
0xcd: {  	_ =	sfence.sel $0xFFFF  }
0xce: {  	[dreg:$0x0] =	wrdreg $0xFFFFFFFF;
	(pc) =	sbr.abs _section_cstart, $3  }
0xcf: {  	[dreg:$0x1] =	wrdreg $0xFFFFFFFF  }
0xd0: {  	_ =	task.clear_ibuf [dreg:s22], $0x2FFFF;
	_ =	strace $0x9FFFFFFF  }
0xd1: {  	(tm) =	ssettm $0x7FFFFFFF  }
tec
execute0_lowered:
.L_overlay_start_1:
0x0: {  	(tag) =	ssettag $0x1  }
0x1: {  	s1 =	rddreg [dreg:$0x0]  }
0x2: {  	s3 =	rddreg [dreg:$0x1]  }
0x3: {  	s0 =	rddreg [dreg:$0x2];
	s2 =	simm.s32 $0x0  }
0x4: {  	s5 =	srdreg.scid;
	s10 =	simm.s32 $0x4;
	s11 =	simm.s32 $0x0  }
0x5: {  	[smem:$0x7FF] =	sst s2;
	s4 =	sadd.s32 $0x1200, s3;
	s5 =	sand.u32 $0x1, s5  }
0x6: {  	s6 =	sadd.s32 $0x2200, s3;
	s3 =	stileid.u32;
	s7 =	ssub.s32 $0x2, s5  }
0x7: {  	_ =	strace $0x8000004A;
	s5 =	sshll.u32 s5, $0x4;
	s30 =	sshrl.u32 s7, $0x1  }
0x8: {  	v2 =	vlaneseq.u32;
	[dreg:$0x3] =	wrdreg s6;
	s8 =	sor.u32 s3, s5;
	s9 =	ssub.s32 s7, s30  }
0x9: {  	vm0 =	vmmov $0xffff;
	vm1 =	vmmov $0xff;
	v1 =	vshrl.u32 v2, $0x3;
	s5 =	sshll.u32 s8, $0x3;
	s31 =	sshll.u32 s8, $0x7;
	s7 =	sadd.s32 $0x100, s1  }
0xa: {  	v0 =	vand.u32 $0x7, v2;
	v2 =	vor.u32 $0x8, v2;
	v1 =	vmul.u32 $0x8, v1;
	s6 =	sadd.s32 s4, s31;
	s8 =	smax.u32 s9, $0x1;
	s9 =	simm.s32 $0x5  }
.LBB2_1:
0xb: {  	_ =	strace $0x8000004B;
	s12 =	simm.s32 $0x8  }
0xc: {  	s13 =	simm.s32 $0x0;
	s14 =	simm.s32 $0x0;
	s15 =	simm.s32 $0x0  }
0xd: {  	[tilespmem:s2], [sflag:$0x1] =	stream.linear.gather [hbm4b:s6+s2], $0x80, $0x200038;
	[tilespmem:$0x18100] =	vst v63  }
0xe: {  	s16 =	simm.s32 $0x0;
	s17 =	simm.s32 $0x1;
	_ =	strace $0x9000004B  }
.LBB2_2:
0xf: {  	s18 =	smov.u32 s13;
	s13 =	sadd.s32 $0x1, s13  }
0x10: {  	p0 =	seq.s32 s13, $0x8  }
0x11: {  	s13 =	simm.s32 @p0 $0x0  }
0x12: {  	p6 =	sne.s32 s12, $0x1;
	p1 =	sne.s32 s18, s13  }
0x13: {  	p0 =	por !p6, !p1  }
0x14: {  	p0 =	por !p0, !p0  }
0x15: {  	s19 =	sadd.s32 @p0 s5, s13  }
0x16: {  	s20 =	sand.u32 @p0 $0x1, s17;
	s19 =	sshll.u32 @p0 s19, $0x4  }
0x17: {  	_ =	strace @p0 $0x8000004C;
	s22 =	simm.s32 @p0 $0x0;
	s19 =	sand.u32 @p0 $0x1FFFFFF0, s19  }
0x18: {  	s21 =	sshll.u32 @p0 s20, $0x7;
	s20 =	sadd.s32 @p0 $0x1, s20;
	s19 =	sadd.s32 @p0 s4, s19  }
0x19: {  	[tilespmem:s21], [sflag:s20] =	stream.linear.gather @p0 [hbm4b:s19+s22], $0x80, $0x200038;
	[tilespmem:$0x18100] =	vst v63  }
0x1a: {  	s28 =	sand.u32 $0x1, s16;
	_ =	strace @p0 $0x9000004C  }
0x1b: {  	s19 =	sadd.s32 $0x1, s28;
	_ =	strace $0x8000004D  }
0x1c: {  	_ =	swait.ge [sflag:s19], $0x80  }
0x1d: {  	[sflag:s19] =	ssyncset.done $0x0  }
0x1e: {  	[sflag:s19] =	ssyncadd.s32 $0xFFFFFF80  }
0x1f: {  	s29 =	sshll.u32 s16, $0x7;
	_ =	strace $0x9000004D  }
0x20: {  	s22 =	sand.u32 $0x80, s29;
	_ =	strace $0x8000004E  }
0x21: {  	v3 =	vld [tilespmem:s22+$0x0];
	_ =	sdelay $0x4  }
0x22: {  	v4 =	vshrl.u32 v3, $0x3  }
0x23: {  	v4 =	vmul.u32 $0x18, v4  }
0x24: {  	v3 =	vand.u32 $0x7, v3  }
0x25: {  	v3 =	vor.u32 v3, v4  }
0x26: {  	v4 =	vperm.xlane v3, v0;
	_ =	sdelay $0x1  }
0x27: {  	s19 =	sand.u32 $0x1, s15;
	v4 =	vadd.s32 v1, v4  }
0x28: {  	s30 =	smul.u32 $0x30000, s19  }
0x29: {  	v3 =	vperm.xlane v3, v2  }
0x2a: {  	s21 =	sshrl.u32 s30, $0x2  }
0x2b: {  	s20 =	sor.u32 $0x100, s21;
	v3 =	vadd.s32 v1, v3  }
0x2c: {  	[tilespmem:s20], [sflag:$0x5] =	stream.indirect_vreg.gather [hbm4b:s1+s2], $0x80, v4, vm0, $0x2000b8;
	[tilespmem:$0x18100] =	vst v63  }
0x2d: {  	s23 =	sor.u32 $0x900, s21  }
0x2e: {  	[tilespmem:s23], [sflag:$0x5] =	stream.indirect_vreg.gather [hbm4b:s7+s2], $0x80, v4, vm1, $0x2000b8;
	[tilespmem:$0x18100] =	vst v63  }
0x2f: {  	s31 =	sor.u32 $0xD00, s21  }
0x30: {  	[tilespmem:s31], [sflag:$0x5] =	stream.indirect_vreg.gather [hbm4b:s1+s2], $0x80, v3, vm0, $0x2000b8;
	[tilespmem:$0x18100] =	vst v63  }
0x31: {  	s24 =	sor.u32 $0x1500, s21  }
0x32: {  	[tilespmem:s24], [sflag:$0x5] =	stream.indirect_vreg.gather [hbm4b:s7+s2], $0x80, v3, vm1, $0x2000b8;
	[tilespmem:$0x18100] =	vst v63  }
0x33: {  	v3 =	vld [tilespmem:s22+$0x10];
	_ =	sdelay $0x4  }
0x34: {  	v57 =	vshrl.u32 v3, $0x3  }
0x35: {  	v4 =	vmul.u32 $0x18, v57  }
0x36: {  	v3 =	vand.u32 $0x7, v3  }
0x37: {  	v3 =	vor.u32 v3, v4  }
0x38: {  	v4 =	vperm.xlane v3, v0;
	_ =	sdelay $0x1  }
0x39: {  	v4 =	vadd.s32 v1, v4;
	_ =	sdelay $0x1  }
0x3a: {  	v3 =	vperm.xlane v3, v2;
	_ =	sdelay $0x1  }
0x3b: {  	s25 =	sor.u32 $0x1900, s21;
	v3 =	vadd.s32 v1, v3  }
0x3c: {  	[tilespmem:s25], [sflag:$0x5] =	stream.indirect_vreg.gather [hbm4b:s1+s2], $0x80, v4, vm0, $0x2000b8;
	[tilespmem:$0x18100] =	vst v63  }
0x3d: {  	s26 =	sor.u32 $0x2100, s21  }
0x3e: {  	[tilespmem:s26], [sflag:$0x5] =	stream.indirect_vreg.gather [hbm4b:s7+s2], $0x80, v4, vm1, $0x2000b8;
	[tilespmem:$0x18100] =	vst v63  }
0x3f: {  	s28 =	sor.u32 $0x2500, s21  }
0x40: {  	[tilespmem:s28], [sflag:$0x5] =	stream.indirect_vreg.gather [hbm4b:s1+s2], $0x80, v3, vm0, $0x2000b8;
	[tilespmem:$0x18100] =	vst v63  }
0x41: {  	s29 =	sor.u32 $0x2D00, s21  }
0x42: {  	[tilespmem:s29], [sflag:$0x5] =	stream.indirect_vreg.gather [hbm4b:s7+s2], $0x80, v3, vm1, $0x2000b8;
	[tilespmem:$0x18100] =	vst v63  }
0x43: {  	v3 =	vld [tilespmem:s22+$0x20];
	_ =	sdelay $0x4  }
0x44: {  	v58 =	vshrl.u32 v3, $0x3  }
0x45: {  	v4 =	vmul.u32 $0x18, v58  }
0x46: {  	v3 =	vand.u32 $0x7, v3  }
0x47: {  	v3 =	vor.u32 v3, v4  }
0x48: {  	v4 =	vperm.xlane v3, v0;
	_ =	sdelay $0x1  }
0x49: {  	v4 =	vadd.s32 v1, v4;
	_ =	sdelay $0x1  }
0x4a: {  	v3 =	vperm.xlane v3, v2;
	_ =	sdelay $0x1  }
0x4b: {  	s30 =	sor.u32 $0x3100, s21;
	v3 =	vadd.s32 v1, v3  }
0x4c: {  	[tilespmem:s30], [sflag:$0x5] =	stream.indirect_vreg.gather [hbm4b:s1+s2], $0x80, v4, vm0, $0x2000b8;
	[tilespmem:$0x18100] =	vst v63  }
0x4d: {  	s31 =	sor.u32 $0x3900, s21  }
0x4e: {  	[tilespmem:s31], [sflag:$0x5] =	stream.indirect_vreg.gather [hbm4b:s7+s2], $0x80, v4, vm1, $0x2000b8;
	[tilespmem:$0x18100] =	vst v63  }
0x4f: {  	s24 =	sor.u32 $0x3D00, s21  }
0x50: {  	[tilespmem:s24], [sflag:$0x5] =	stream.indirect_vreg.gather [hbm4b:s1+s2], $0x80, v3, vm0, $0x2000b8;
	[tilespmem:$0x18100] =	vst v63  }
0x51: {  	s25 =	sadd.s32 $0x4500, s21  }
0x52: {  	[tilespmem:s25], [sflag:$0x5] =	stream.indirect_vreg.gather [hbm4b:s7+s2], $0x80, v3, vm1, $0x2000b8;
	[tilespmem:$0x18100] =	vst v63  }
0x53: {  	v3 =	vld [tilespmem:s22+$0x30];
	_ =	sdelay $0x4  }
0x54: {  	v59 =	vshrl.u32 v3, $0x3  }
0x55: {  	v4 =	vmul.u32 $0x18, v59  }
0x56: {  	v3 =	vand.u32 $0x7, v3  }
0x57: {  	v3 =	vor.u32 v3, v4  }
0x58: {  	v4 =	vperm.xlane v3, v0;
	_ =	sdelay $0x1  }
0x59: {  	v4 =	vadd.s32 v1, v4;
	_ =	sdelay $0x1  }
0x5a: {  	v3 =	vperm.xlane v3, v2;
	_ =	sdelay $0x1  }
0x5b: {  	s26 =	sadd.s32 $0x4900, s21;
	v3 =	vadd.s32 v1, v3  }
0x5c: {  	[tilespmem:s26], [sflag:$0x5] =	stream.indirect_vreg.gather [hbm4b:s1+s2], $0x80, v4, vm0, $0x2000b8;
	[tilespmem:$0x18100] =	vst v63  }
0x5d: {  	s28 =	sadd.s32 $0x5100, s21  }
0x5e: {  	[tilespmem:s28], [sflag:$0x5] =	stream.indirect_vreg.gather [hbm4b:s7+s2], $0x80, v4, vm1, $0x2000b8;
	[tilespmem:$0x18100] =	vst v63  }
0x5f: {  	s29 =	sadd.s32 $0x5500, s21  }
0x60: {  	[tilespmem:s29], [sflag:$0x5] =	stream.indirect_vreg.gather [hbm4b:s1+s2], $0x80, v3, vm0, $0x2000b8;
	[tilespmem:$0x18100] =	vst v63  }
0x61: {  	s30 =	sadd.s32 $0x5D00, s21  }
0x62: {  	[tilespmem:s30], [sflag:$0x5] =	stream.indirect_vreg.gather [hbm4b:s7+s2], $0x80, v3, vm1, $0x2000b8;
	[tilespmem:$0x18100] =	vst v63  }
0x63: {  	v3 =	vld [tilespmem:s22+$0x40];
	_ =	sdelay $0x4  }
0x64: {  	v60 =	vshrl.u32 v3, $0x3  }
0x65: {  	v4 =	vmul.u32 $0x18, v60  }
0x66: {  	v3 =	vand.u32 $0x7, v3  }
0x67: {  	v3 =	vor.u32 v3, v4  }
0x68: {  	v4 =	vperm.xlane v3, v0;
	_ =	sdelay $0x1  }
0x69: {  	v4 =	vadd.s32 v1, v4;
	_ =	sdelay $0x1  }
0x6a: {  	v3 =	vperm.xlane v3, v2;
	_ =	sdelay $0x1  }
0x6b: {  	s31 =	sadd.s32 $0x6100, s21;
	v3 =	vadd.s32 v1, v3  }
0x6c: {  	[tilespmem:s31], [sflag:$0x5] =	stream.indirect_vreg.gather [hbm4b:s1+s2], $0x80, v4, vm0, $0x2000b8;
	[tilespmem:$0x18100] =	vst v63  }
0x6d: {  	s24 =	sadd.s32 $0x6900, s21  }
0x6e: {  	[tilespmem:s24], [sflag:$0x5] =	stream.indirect_vreg.gather [hbm4b:s7+s2], $0x80, v4, vm1, $0x2000b8;
	[tilespmem:$0x18100] =	vst v63  }
0x6f: {  	s25 =	sadd.s32 $0x6D00, s21  }
0x70: {  	[tilespmem:s25], [sflag:$0x5] =	stream.indirect_vreg.gather [hbm4b:s1+s2], $0x80, v3, vm0, $0x2000b8;
	[tilespmem:$0x18100] =	vst v63  }
0x71: {  	s26 =	sadd.s32 $0x7500, s21  }
0x72: {  	[tilespmem:s26], [sflag:$0x5] =	stream.indirect_vreg.gather [hbm4b:s7+s2], $0x80, v3, vm1, $0x2000b8;
	[tilespmem:$0x18100] =	vst v63  }
0x73: {  	v3 =	vld [tilespmem:s22+$0x50];
	_ =	sdelay $0x4  }
0x74: {  	v61 =	vshrl.u32 v3, $0x3  }
0x75: {  	v4 =	vmul.u32 $0x18, v61  }
0x76: {  	v3 =	vand.u32 $0x7, v3  }
0x77: {  	v3 =	vor.u32 v3, v4  }
0x78: {  	v4 =	vperm.xlane v3, v0;
	_ =	sdelay $0x1  }
0x79: {  	v4 =	vadd.s32 v1, v4;
	_ =	sdelay $0x1  }
0x7a: {  	v3 =	vperm.xlane v3, v2;
	_ =	sdelay $0x1  }
0x7b: {  	s28 =	sadd.s32 $0x7900, s21;
	v3 =	vadd.s32 v1, v3  }
0x7c: {  	[tilespmem:s28], [sflag:$0x5] =	stream.indirect_vreg.gather [hbm4b:s1+s2], $0x80, v4, vm0, $0x2000b8;
	[tilespmem:$0x18100] =	vst v63  }
0x7d: {  	s29 =	sadd.s32 $0x8100, s21  }
0x7e: {  	[tilespmem:s29], [sflag:$0x5] =	stream.indirect_vreg.gather [hbm4b:s7+s2], $0x80, v4, vm1, $0x2000b8;
	[tilespmem:$0x18100] =	vst v63  }
0x7f: {  	s30 =	sadd.s32 $0x8500, s21  }
0x80: {  	[tilespmem:s30], [sflag:$0x5] =	stream.indirect_vreg.gather [hbm4b:s1+s2], $0x80, v3, vm0, $0x2000b8;
	[tilespmem:$0x18100] =	vst v63  }
0x81: {  	s31 =	sadd.s32 $0x8D00, s21  }
0x82: {  	[tilespmem:s31], [sflag:$0x5] =	stream.indirect_vreg.gather [hbm4b:s7+s2], $0x80, v3, vm1, $0x2000b8;
	[tilespmem:$0x18100] =	vst v63  }
0x83: {  	v3 =	vld [tilespmem:s22+$0x60];
	_ =	sdelay $0x4  }
0x84: {  	v62 =	vshrl.u32 v3, $0x3  }
0x85: {  	v4 =	vmul.u32 $0x18, v62  }
0x86: {  	v3 =	vand.u32 $0x7, v3  }
0x87: {  	v3 =	vor.u32 v3, v4  }
0x88: {  	v4 =	vperm.xlane v3, v0;
	_ =	sdelay $0x1  }
0x89: {  	v4 =	vadd.s32 v1, v4;
	_ =	sdelay $0x1  }
0x8a: {  	v3 =	vperm.xlane v3, v2;
	_ =	sdelay $0x1  }
0x8b: {  	s24 =	sadd.s32 $0x9100, s21;
	v3 =	vadd.s32 v1, v3  }
0x8c: {  	[tilespmem:s24], [sflag:$0x5] =	stream.indirect_vreg.gather [hbm4b:s1+s2], $0x80, v4, vm0, $0x2000b8;
	[tilespmem:$0x18100] =	vst v63  }
0x8d: {  	s25 =	sadd.s32 $0x9900, s21  }
0x8e: {  	[tilespmem:s25], [sflag:$0x5] =	stream.indirect_vreg.gather [hbm4b:s7+s2], $0x80, v4, vm1, $0x2000b8;
	[tilespmem:$0x18100] =	vst v63  }
0x8f: {  	s26 =	sadd.s32 $0x9D00, s21  }
0x90: {  	[tilespmem:s26], [sflag:$0x5] =	stream.indirect_vreg.gather [hbm4b:s1+s2], $0x80, v3, vm0, $0x2000b8;
	[tilespmem:$0x18100] =	vst v63  }
0x91: {  	s28 =	sadd.s32 $0xA500, s21  }
0x92: {  	[tilespmem:s28], [sflag:$0x5] =	stream.indirect_vreg.gather [hbm4b:s7+s2], $0x80, v3, vm1, $0x2000b8;
	[tilespmem:$0x18100] =	vst v63  }
0x93: {  	v3 =	vld [tilespmem:s22+$0x70];
	_ =	sdelay $0x4  }
0x94: {  	v63 =	vshrl.u32 v3, $0x3  }
0x95: {  	v4 =	vmul.u32 $0x18, v63  }
0x96: {  	v3 =	vand.u32 $0x7, v3  }
0x97: {  	v3 =	vor.u32 v3, v4  }
0x98: {  	v4 =	vperm.xlane v3, v0;
	_ =	sdelay $0x1  }
0x99: {  	v4 =	vadd.s32 v1, v4;
	_ =	sdelay $0x1  }
0x9a: {  	v3 =	vperm.xlane v3, v2;
	_ =	sdelay $0x1  }
0x9b: {  	s29 =	sadd.s32 $0xA900, s21;
	v3 =	vadd.s32 v1, v3  }
0x9c: {  	[tilespmem:s29], [sflag:$0x5] =	stream.indirect_vreg.gather [hbm4b:s1+s2], $0x80, v4, vm0, $0x2000b8;
	[tilespmem:$0x18100] =	vst v63  }
0x9d: {  	s30 =	sadd.s32 $0xB100, s21  }
0x9e: {  	[tilespmem:s30], [sflag:$0x5] =	stream.indirect_vreg.gather [hbm4b:s7+s2], $0x80, v4, vm1, $0x2000b8;
	[tilespmem:$0x18100] =	vst v63  }
0x9f: {  	s31 =	sadd.s32 $0xB500, s21  }
0xa0: {  	[tilespmem:s31], [sflag:$0x5] =	stream.indirect_vreg.gather [hbm4b:s1+s2], $0x80, v3, vm0, $0x2000b8;
	[tilespmem:$0x18100] =	vst v63  }
0xa1: {  	s21 =	sadd.s32 $0xBD00, s21  }
0xa2: {  	[tilespmem:s21], [sflag:$0x5] =	stream.indirect_vreg.gather [hbm4b:s7+s2], $0x80, v3, vm1, $0x2000b8;
	[tilespmem:$0x18100] =	vst v63  }
0xa3: {  	_ =	swait.ge [sflag:s9], $0xC000  }
0xa4: {  	[sflag:s9] =	ssyncset.done $0x0  }
0xa5: {  	p2 =	seq.s32 s12, $0x1;
	[sflag:s9] =	ssyncadd.s32 $0xFFFF4000  }
0xa6: {  	s18 =	sadd.s32 s5, s18;
	p1 =	por p2, p1;
	_ =	strace $0x9000004E  }
0xa7: {  	s18 =	smul.u32 @p1 $0x1800, s18;
	s22 =	simm.s32 $0x1;
	_ =	strace @p1 $0x8000004F  }
0xa8: {  	s19 =	sadd.s32 @p1 $0x3, s19;
	s22 =	simm.s32 @!p0 $0x0;
	s21 =	rddreg [dreg:$0x3]  }
0xa9: {  	p0 =	seq.s32 s12, $0x8;
	s18 =	sadd.s32 @p1 s21, s18;
	s21 =	simm.s32 @p1 $0x0  }
0xaa: {  	[hbm4b:s18+s21] =	stream.linear.scatter @p1 [tilespmem:s20], [sflag:s19], $0xC000, $0x200038;
	[tilespmem:$0x18100] =	vst v63  }
0xab: {  	s18 =	simm.s32 $0x1;
	s20 =	simm.s32 $0x1;
	_ =	strace @p1 $0x9000004F  }
0xac: {  	s18 =	simm.s32 @!p1 $0x0;
	p1 =	sne.s32 s12, $0x8;
	s12 =	sadd.s32 $0xFFFFFFFF, s12  }
0xad: {  	s19 =	sand.u32 @!p0 $0x1, s14;
	s20 =	simm.s32 @!p1 $0x0;
	p1 =	sne.s32 s12, $0x0  }
.Ltmp0:
0xae: {  	s19 =	sadd.s32 @!p0 $0x3, s19;
	_ =	strace @!p0 $0x80000050;
	(pc) =	sbr.rel @p1 .LBB2_2-.Ltmp0, $4  }
0xaf: {  	_ =	swait.ge @!p0 [sflag:s19], $0xC000  }
0xb0: {  	[sflag:s19] =	ssyncset.done @!p0 $0x0  }
0xb1: {  	s17 =	sadd.s32 s22, s17;
	s15 =	sadd.s32 s18, s15;
	[sflag:s19] =	ssyncadd.s32 @!p0 $0xFFFF4000  }
0xb2: {  	s16 =	sadd.s32 s18, s16;
	s14 =	sadd.s32 s20, s14;
	_ =	strace @!p0 $0x90000050  }
0xb3: {  	s11 =	sadd.s32 $0x1, s11  }
0xb4: {  	p0 =	sne.s32 s11, s8  }
.Ltmp1:
0xb5: {  	_ =	strace $0x80000051;
	(pc) =	sbr.rel @p0 .LBB2_1-.Ltmp1, $4  }
0xb6: {  	_ =	swait.ge [sflag:s10], $0xC000  }
0xb7: {  	[sflag:s10] =	ssyncset.done $0x0  }
0xb8: {  	[sflag:s10] =	ssyncadd.s32 $0xFFFF4000  }
0xb9: {  	_ =	strace $0x90000051  }
0xba: {  	_ =	sfence.sel $0x180000  }
0xbb: {  	[bflag:$0x0] =	sbarrier.arrive $0xFFFF  }
0xbc: {  	p0 =	sne.s32 s3, $0x0;
	_ =	strace $0x9000004A  }
0xbd: {  	s0 =	sadd.s32 @!p0 $0x100000, s0;
	[bflag:$0x2] =	sbarrier.arrive $0xFFFF  }
0xbe: {  	[sflag:s0] =	ssyncadd.tile.s32 @!p0 $0x1;
	_ =	shalt  }
.Lfunc_end2:
_tile_overlayer_lowered:
.L_overlay_start_2:
0xbf: {  	(tag) =	ssettag $0x2  }
0xc0: {  	s0 =	rddreg [dreg:$0x0];
	s2 =	stileid.u32  }
0xc1: {  	s1 =	rddreg [dreg:$0x1];
	p0 =	sne.s32 s2, $0x0  }
0xc2: {  	s3 =	rddreg [dreg:$0x2];
	[bflag:$0x3] =	sbarrier.arrive $0xFFFF;
	s2 =	simm.s32 @!p0 $0x1C01  }
0xc3: {  	[timem:s3], [sflag:s2] =	dma.local @!p0 [hbm:s0], s1  }
0xc4: {  	s0 =	simm.s32 @!p0 $0x1  }
0xc5: {  	_ =	swait.ge @!p0 [sflag:s0], s1  }
0xc6: {  	s1 =	ssub.s32 @!p0 $0x0, s1;
	[sflag:s0] =	ssyncset.done @!p0 $0x0  }
0xc7: {  	[sflag:s0] =	ssyncadd.s32 @!p0 s1  }
0xc8: {  	[bflag:$0x3] =	sbarrier.arrive $0xFFFF  }
0xc9: {  	_ =	shalt  }

// kernel: kernel.8.cloned.1.call-start
scs
__scs_entry_jumppad:
0x0: {  	(pc) =	sbr.rel $0x88, $3  }
0x1: {  	(tag) =	ssettag $0x0;
	lr =	simm.s32 $0x1  }
0x2: {  	[smem:$0x3F9C] =	sst lr;
	_ =	strace $0xD0000000  }
0x3: {  	_ = 	snop  }
0x4: {  	_ = 	snop  }
0x5: {  	_ = 	snop  }
0x6: {  	_ = 	snop  }
0x7: {  	_ = 	snop  }
__scs_overlays_trampoline_lowered:
0x8: {  	[smem:$0x3FAB] =	sst s0  }
0x9: {  	[smem:$0x3FAC] =	sst s1  }
0xa: {  	[smem:$0x3FAD] =	sst s2  }
0xb: {  	[smem:$0x3FAE] =	sst s3  }
0xc: {  	[smem:$0x3FAF] =	sst s4  }
0xd: {  	[smem:$0x3FB0] =	sst s5  }
0xe: {  	[smem:$0x3FB1] =	sst s6  }
0xf: {  	[smem:$0x3FB2] =	sst s7  }
0x10: {  	[smem:$0x3FB3] =	sst s8  }
0x11: {  	[smem:$0x3FB4] =	sst s9;
	s0 =	simm.s32 @!p0 $0x0  }
0x12: {  	s1 =	sld [smem:$0x3F9A];
	s0 =	simm.s32 @p0 $0x1  }
0x13: {  	[smem:$0x3FB5] =	sst s0;
	s0 =	simm.s32 @!p1 $0x0  }
0x14: {  	s2 =	sld [smem:$0x3F99];
	s0 =	simm.s32 @p1 $0x1  }
0x15: {  	[smem:$0x3FB6] =	sst s0;
	s0 =	simm.s32 @!p2 $0x0  }
0x16: {  	s3 =	sld [smem:$0x3FDB];
	s0 =	simm.s32 @p2 $0x1  }
0x17: {  	s4 =	simm.s32 $0x1BF5;
	[smem:$0x3FB8] =	sst s0  }
0x18: {  	s0 =	sld [smem:$0x3F9B];
	_ =	swait.ge [sflag:s4], $0x0  }
0x19: {  	s7 =	sld [smem:$0x3F9C]  }
0x1a: {  	s8 =	sadd.s32 $0xFFFFE003, lr  }
0x1b: {  	s9 =	sadd.s32 $0xFFFFFEF7, lr;
	s5 =	simm.s32 $0xFFFFFFFF;
	p2 =	slt.u32 s8, $0xFFFFF086  }
0x1c: {  	p1 =	slt.u32 s9, $0xF7A;
	s5 =	simm.s32 @!p2 $0x0  }
0x1d: {  	s5 =	simm.s32 @p1 $0x1;
	p0 =	seq.s32 s7, s2  }
0x1e: {  	s7 =	smul.u32 @!p0 $0xF7A, s2;
	p2 =	seq.s32 @!p0 s5, $0x0  }
0x1f: {  	s9 =	smul.u32 $0xF7A, s1;
	s8 =	simm.s32 @!p0 $0x1BF5;
	p2 =	por !p2, p0  }
0x20: {  	[sflag:s8] =	ssyncset.s32 @!p0 $0xFFFFF086;
	s6 =	sadd.s32 @!p0 s3, s7;
	s7 =	simm.s32 @!p0 $0x108  }
0x21: {  	s3 =	sadd.s32 s3, s9;
	s6 =	sadd.s32 @!p0 $0x88, s6;
	s7 =	simm.s32 @p2 $0x1082  }
0x22: {  	[simem:s7], [sflag:s8] =	dma.local @!p0 [hbm:s6], $0xF7A  }
0x23: {  	s9 =	sor.u32 $0xD0000000, s2;
	s6 =	simm.s32 $0x108;
	_ =	swait.ge @!p0 [sflag:s8], $0x0  }
0x24: {  	s3 =	sadd.s32 $0x88, s3;
	s6 =	simm.s32 @!p1 $0x1082;
	[sflag:s4] =	ssyncset.s32 $0xFFFFF086  }
0x25: {  	[simem:s6], [sflag:s4] =	dma.local [hbm:s3], $0xF7A  }
0x26: {  	[smem:$0x3F9C] =	sst s1;
	(tag) =	ssettag s2;
	_ =	strace s9  }
0x27: {  	s1 =	sld [smem:$0x3FAC]  }
0x28: {  	s2 =	sld [smem:$0x3FAD]  }
0x29: {  	s4 =	sld [smem:$0x3FAF]  }
0x2a: {  	p0 =	seq.s32 s5, $0x0;
	s5 =	sld [smem:$0x3FB0]  }
0x2b: {  	s6 =	sld [smem:$0x3FB1]  }
0x2c: {  	s7 =	sld [smem:$0x3FB2]  }
0x2d: {  	s3 =	simm.s32 $0x108;
	s8 =	sld [smem:$0x3FB3]  }
0x2e: {  	s3 =	simm.s32 @!p0 $0x1082;
	s9 =	sld [smem:$0x3FB4]  }
0x2f: {  	lr =	sadd.s32 s0, s3;
	s0 =	sld [smem:$0x3FAB]  }
0x30: {  	s3 =	sld [smem:$0x3FAE]  }
0x31: {  	[smem:$0x3FB7] =	sst s10  }
0x32: {  	s10 =	sld [smem:$0x3FB5];
	_ =	sdelay $0x3  }
0x33: {  	p0 =	seq.s32 s10, $0x1;
	s10 =	sld [smem:$0x3FB7];
	_ =	sdelay $0x3  }
0x34: {  	[smem:$0x3FB7] =	sst s10  }
0x35: {  	s10 =	sld [smem:$0x3FB6];
	_ =	sdelay $0x3  }
0x36: {  	p1 =	seq.s32 s10, $0x1;
	s10 =	sld [smem:$0x3FB7];
	_ =	sdelay $0x3  }
0x37: {  	[smem:$0x3FB7] =	sst s10  }
0x38: {  	s10 =	sld [smem:$0x3FB8]  }
0x39: {  	_ = 	snop;
	(pc) =	sbr.ind lr, $3  }
0x3a: {  	_ = 	snop  }
0x3b: {  	_ = 	snop  }
0x3c: {  	p2 =	seq.s32 s10, $0x1;
	s10 =	sld [smem:$0x3FB7]  }
0x3d: {  	_ =	shalt  }
0x3e: {  	_ =	shalt  }
0x3f: {  	_ =	shalt  }
0x40: {  	_ =	shalt  }
0x41: {  	_ =	shalt  }
0x42: {  	_ =	shalt  }
0x43: {  	_ =	shalt  }
0x44: {  	_ =	shalt  }
0x45: {  	_ =	shalt  }
0x46: {  	_ =	shalt  }
0x47: {  	_ =	shalt  }
0x48: {  	_ =	shalt  }
0x49: {  	_ =	shalt  }
0x4a: {  	_ =	shalt  }
0x4b: {  	_ =	shalt  }
0x4c: {  	_ =	shalt  }
0x4d: {  	_ =	shalt  }
0x4e: {  	_ =	shalt  }
0x4f: {  	_ =	shalt  }
0x50: {  	_ =	shalt  }
0x51: {  	_ =	shalt  }
0x52: {  	_ =	shalt  }
0x53: {  	_ =	shalt  }
0x54: {  	_ =	shalt  }
0x55: {  	_ =	shalt  }
0x56: {  	_ =	shalt  }
0x57: {  	_ =	shalt  }
0x58: {  	_ =	shalt  }
0x59: {  	_ =	shalt  }
0x5a: {  	_ =	shalt  }
0x5b: {  	_ =	shalt  }
0x5c: {  	_ =	shalt  }
0x5d: {  	_ =	shalt  }
0x5e: {  	_ =	shalt  }
0x5f: {  	_ =	shalt  }
0x60: {  	_ =	shalt  }
0x61: {  	_ =	shalt  }
0x62: {  	_ =	shalt  }
0x63: {  	_ =	shalt  }
0x64: {  	_ =	shalt  }
0x65: {  	_ =	shalt  }
0x66: {  	_ =	shalt  }
0x67: {  	_ =	shalt  }
0x68: {  	_ =	shalt  }
0x69: {  	_ =	shalt  }
0x6a: {  	_ =	shalt  }
0x6b: {  	_ =	shalt  }
0x6c: {  	_ =	shalt  }
0x6d: {  	_ =	shalt  }
0x6e: {  	_ =	shalt  }
0x6f: {  	_ =	shalt  }
0x70: {  	_ =	shalt  }
0x71: {  	_ =	shalt  }
0x72: {  	_ =	shalt  }
0x73: {  	_ =	shalt  }
0x74: {  	_ =	shalt  }
0x75: {  	_ =	shalt  }
0x76: {  	_ =	shalt  }
0x77: {  	_ =	shalt  }
0x78: {  	_ =	shalt  }
0x79: {  	_ =	shalt  }
0x7a: {  	_ =	shalt  }
0x7b: {  	_ =	shalt  }
0x7c: {  	_ =	shalt  }
0x7d: {  	_ =	shalt  }
0x7e: {  	_ =	shalt  }
0x7f: {  	_ =	shalt  }
0x80: {  	_ =	shalt  }
0x81: {  	_ =	shalt  }
0x82: {  	_ =	shalt  }
0x83: {  	_ =	shalt  }
0x84: {  	_ =	shalt  }
0x85: {  	_ =	shalt  }
0x86: {  	_ =	shalt  }
0x87: {  	_ =	shalt  }
.Lfunc_end0:
.L_simem_size_0:
called_computation.2_lowered:
.L_overlay_start_0:
0x88: {  	s2 =	sld [smem:$0x3FD9]  }
0x89: {  	s3 =	sld [smem:$0x3FFE];
	_ =	sdelay $0x1  }
0x8a: {  	s1 =	srdreg.scid  }
0x8b: {  	s0 =	sand.u32 $0x1, s1  }
0x8c: {  	s17 =	sshll.u32 s0, $0xA;
	s2 =	sadd.s32 s3, s2  }
0x8d: {  	s2 =	sadd.s32 s2, s17  }
0x8e: {  	[smem:$0x3FC3] =	sst s2  }
0x8f: {  	_ = 	snop  }
0x90: {  	s2 =	sld [smem:$0x3FD0];
	(tm) =	ssettm $0x1  }
0x91: {  	s18 =	sld [smem:$0x3FFB];
	_ =	sdelay $0x3  }
0x92: {  	_ =	strace s18  }
0x93: {  	s3 =	sld [smem:$0x3FFC];
	_ =	sdelay $0x3  }
0x94: {  	_ =	strace s3  }
0x95: {  	s3 =	sld [smem:$0x3FFD];
	_ =	sdelay $0x3  }
0x96: {  	_ =	strace s3  }
0x97: {  	_ =	strace $0x8FFFFFFF  }
0x98: {  	s19 =	sld [smem:$0x3FDB];
	_ =	sdelay $0x1  }
0x99: {  	s4 =	simm.s32 $_scs_section_size  }
0x9a: {  	s5 =	simm.s32 $_size__tile_overlayer_lowered;
	s6 =	simm.s32 $_tile_overlayer_lowered  }
0x9b: {  	s22 =	simm.s32 $0x1BFF;
	s21 =	sshll.u32 s6, $0x1;
	s3 =	sadd.s32 s4, s19  }
0x9c: {  	s7 =	simm.s32 $0x0;
	s20 =	sshll.u32 s5, $0x1;
	s5 =	sadd.s32 s21, s3  }
0x9d: {  	[timem:s7], [sflag:s22] =	dma.local [hbm:s5], s20  }
0x9e: {  	_ =	swait.ge [sflag:s22], s20  }
0x9f: {  	s4 =	ssub.s32 $0x0, s20;
	[sflag:s22] =	ssyncset.done $0x0  }
0xa0: {  	[sflag:s22] =	ssyncadd.s32 s4;
	_ =	sdelay $0x1  }
0xa1: {  	s23 =	simm.s32 $0x1B8B  }
0xa2: {  	_ =	swait.ge [sflag:s23], $0x1  }
0xa3: {  	[sflag:s23] =	ssyncset.done $0x0  }
0xa4: {  	s25 =	simm.s32 $0x1B8E;
	s24 =	sld [smem:$0x3FFE];
	[sflag:s23] =	ssyncadd.s32 $0xFFFFFFFF  }
0xa5: {  	s26 =	simm.s32 $execute0_lowered;
	[smem:$0x3FD2] =	sst s25  }
0xa6: {  	s5 =	sshll.u32 s26, $0x1;
	_ =	strace $0x80000053;
	[dreg:$0x1] =	wrdreg $0xFFFFFFFF  }
0xa7: {  	s28 =	simm.s32 $_size_execute0_lowered;
	s3 =	sadd.s32 s3, s5;
	[dreg:$0x0] =	wrdreg $0x0  }
0xa8: {  	s5 =	sshll.u32 s28, $0x1;
	[dreg:$0x2] =	wrdreg s3  }
0xa9: {  	[dreg:$0x3] =	wrdreg s5  }
0xaa: {  	[dreg:$0x4] =	wrdreg $0xC0  }
0xab: {  	_ =	task [dreg:s7], $0x5FFFF  }
0xac: {  	[dreg:$0x1] =	wrdreg $0xFFFFFFFF  }
0xad: {  	[dreg:$0x0] =	wrdreg $0x60  }
0xae: {  	[dreg:$0x2] =	wrdreg s2  }
0xaf: {  	[dreg:$0x3] =	wrdreg s24  }
0xb0: {  	[dreg:$0x4] =	wrdreg $0x9  }
0xb1: {  	_ =	task.clear_ibuf [dreg:s7], $0x5FFFF;
	_ =	strace $0x90000053  }
0xb2: {  	s29 =	simm.s32 $0x9;
	_ =	strace $0x8000005B  }
0xb3: {  	_ =	swait.ge [sflag:s29], $0x1  }
0xb4: {  	[sflag:s29] =	ssyncadd.s32 $0xFFFFFFFF  }
0xb5: {  	_ =	strace $0x9000005B  }
0xb6: {  	_ =	sfence  }
0xb7: {  	s30 =	sld [smem:$0x0];
	_ =	sdelay $0x2  }
0xb8: {  	s31 =	sshll.u32 s1, $0xD;
	s1 =	sshrl.u32 s1, $0x2  }
0xb9: {  	s3 =	sand.u32 $0x4000, s31;
	s1 =	sadd.s32 s1, s30  }
0xba: {  	s0 =	sor.u32 s3, s0;
	s1 =	sshll.u32 s1, $0x11  }
0xbb: {  	s0 =	sor.u32 s1, s0  }
0xbc: {  	s0 =	sadd.s32 $0x8F2B, s0  }
0xbd: {  	[sflag:s0] =	ssyncadd.remote.s32 $0x1  }
0xbe: {  	_ =	sfence.sel $0xFFFF  }
0xbf: {  	[dreg:$0x0] =	wrdreg $0xFFFFFFFF;
	(pc) =	sbr.abs _section_cstart, $3  }
0xc0: {  	[dreg:$0x1] =	wrdreg $0xFFFFFFFF  }
0xc1: {  	_ =	task.clear_ibuf [dreg:s7], $0x2FFFF;
	_ =	strace $0x9FFFFFFF  }
0xc2: {  	(tm) =	ssettm $0x7FFFFFFF  }
0xc3: {  	_ =	shalt  }
tec
execute0_lowered:
.L_overlay_start_1:
0x0: {  	(tag) =	ssettag $0x1  }
0x1: {  	s1 =	rddreg [dreg:$0x0]  }
0x2: {  	s9 =	rddreg [dreg:$0x1];
	s2 =	srdreg.scid  }
0x3: {  	s0 =	rddreg [dreg:$0x2];
	s3 =	simm.s32 $0x0;
	s12 =	simm.s32 $0xC000  }
0x4: {  	s13 =	simm.s32 $0x0;
	s4 =	sand.u32 $0x1, s2;
	[smem:$0x7FF] =	sst s3  }
0x5: {  	s2 =	stileid.u32;
	s5 =	sshll.u32 s4, $0x4;
	_ =	strace $0x80000054  }
0x6: {  	s6 =	ssub.s32 $0x2, s4;
	s4 =	sadd.s32 $0x1200, s9;
	[dreg:$0x3] =	wrdreg s12  }
0x7: {  	s12 =	simm.s32 $0x5;
	s7 =	sor.u32 s2, s5;
	s8 =	sshrl.u32 s6, $0x1  }
0x8: {  	v2 =	vlaneseq.u32;
	s10 =	smul.u32 $0xC000, s7;
	s11 =	ssub.s32 s6, s8;
	s6 =	sshll.u32 s7, $0x7  }
0x9: {  	vm0 =	vmmov $0xffff;
	vm1 =	vmmov $0xff;
	v1 =	vshrl.u32 v2, $0x3;
	s5 =	sadd.s32 $0x2200, s9;
	s9 =	sadd.s32 $0x2300, s9;
	s8 =	sadd.s32 s4, s6  }
0xa: {  	v0 =	vand.u32 $0x7, v2;
	v2 =	vor.u32 $0x8, v2;
	v1 =	vmul.u32 $0x8, v1;
	s7 =	sadd.s32 s1, s10;
	s10 =	smax.u32 s11, $0x1;
	s11 =	simm.s32 $0x18000  }
.LBB2_1:
0xb: {  	_ =	strace $0x80000055;
	s14 =	simm.s32 $0x8;
	s15 =	simm.s32 $0x0  }
0xc: {  	[tilespmem:s3], [sflag:$0x1] =	stream.linear.gather [hbm4b:s7+s3], $0xC000, $0x200038;
	[tilespmem:$0x18100] =	vst v63  }
0xd: {  	s20 =	simm.s32 $0x1;
	s16 =	simm.s32 $0x0;
	s17 =	simm.s32 $0x1  }
0xe: {  	[tilespmem:s11], [sflag:$0x3] =	stream.linear.gather [hbm4b:s8+s3], $0x80, $0x200038;
	[tilespmem:$0x18100] =	vst v63  }
0xf: {  	s18 =	simm.s32 $0x0;
	s19 =	smov.u32 s20;
	_ =	strace $0x90000055  }
.LBB2_2:
0x10: {  	s21 =	smov.u32 s15;
	s15 =	sadd.s32 $0x1, s15  }
0x11: {  	p0 =	seq.s32 s15, $0x8  }
0x12: {  	s15 =	simm.s32 @p0 $0x0;
	p0 =	seq.s32 s14, $0x1  }
0x13: {  	p1 =	seq.s32 @!p0 s21, s15  }
0x14: {  	p2 =	por p1, p0  }
0x15: {  	s22 =	sshll.u32 @!p2 s15, $0x4  }
0x16: {  	s23 =	sand.u32 @!p2 $0x1, s20;
	s22 =	sadd.s32 @!p2 s22, s6  }
0x17: {  	s24 =	smul.u32 @!p2 $0x30000, s23;
	s22 =	sand.u32 @!p2 $0x1FFFFFF0, s22  }
0x18: {  	s25 =	smul.u32 @!p2 $0x180, s22  }
0x19: {  	_ =	strace @!p2 $0x80000056;
	s26 =	simm.s32 @!p2 $0x0  }
0x1a: {  	s23 =	sadd.s32 @!p2 $0x1, s23;
	s24 =	sshrl.u32 @!p2 s24, $0x2;
	s25 =	sadd.s32 @!p2 s1, s25  }
0x1b: {  	[tilespmem:s24], [sflag:s23] =	stream.linear.gather @!p2 [hbm4b:s25+s26], $0xC000, $0x200038;
	[tilespmem:$0x18100] =	vst v63  }
0x1c: {  	s23 =	sand.u32 @!p2 $0x1, s17  }
0x1d: {  	s22 =	sadd.s32 @!p2 s4, s22;
	_ =	strace @!p2 $0x90000056;
	s24 =	sshll.u32 @!p2 s23, $0x7  }
0x1e: {  	s23 =	sadd.s32 @!p2 $0x3, s23;
	_ =	strace @!p2 $0x80000057;
	s24 =	sor.u32 @!p2 $0x18000, s24  }
0x1f: {  	[tilespmem:s24], [sflag:s23] =	stream.linear.gather @!p2 [hbm4b:s22+s26], $0x80, $0x200038;
	[tilespmem:$0x18100] =	vst v63  }
0x20: {  	s29 =	sand.u32 $0x1, s18;
	_ =	strace @!p2 $0x90000057  }
0x21: {  	s30 =	sadd.s32 $0x1, s29;
	_ =	strace $0x80000058  }
0x22: {  	_ =	swait.ge [sflag:s30], $0xC000  }
0x23: {  	[sflag:s30] =	ssyncset.done $0x0  }
0x24: {  	[sflag:s30] =	ssyncadd.s32 $0xFFFF4000  }
0x25: {  	s31 =	sand.u32 $0x1, s16;
	_ =	strace $0x90000058  }
0x26: {  	s22 =	sadd.s32 $0x3, s31;
	_ =	strace $0x80000059  }
0x27: {  	_ =	swait.ge [sflag:s22], $0x80  }
0x28: {  	[sflag:s22] =	ssyncset.done $0x0  }
0x29: {  	[sflag:s22] =	ssyncadd.s32 $0xFFFFFF80  }
0x2a: {  	s23 =	sshll.u32 s16, $0x7;
	_ =	strace $0x90000059  }
0x2b: {  	s23 =	sand.u32 $0x80, s23;
	_ =	strace $0x8000005A  }
0x2c: {  	v3 =	vld [tilespmem:s23+$0x18000];
	_ =	sdelay $0x4  }
0x2d: {  	v4 =	vshrl.u32 v3, $0x3  }
0x2e: {  	v4 =	vmul.u32 $0x18, v4  }
0x2f: {  	v3 =	vand.u32 $0x7, v3  }
0x30: {  	v3 =	vor.u32 v3, v4  }
0x31: {  	v4 =	vperm.xlane v3, v0;
	_ =	sdelay $0x1  }
0x32: {  	v4 =	vadd.s32 v1, v4;
	_ =	sdelay $0x1  }
0x33: {  	v3 =	vperm.xlane v3, v2  }
0x34: {  	p3 =	seq.s32 s29, $0x1;
	s22 =	rddreg [dreg:$0x3]  }
0x35: {  	s22 =	simm.s32 @!p3 $0x0;
	v3 =	vadd.s32 v1, v3  }
0x36: {  	[hbm4b:s5+s3] =	stream.indirect_vreg.scatter [tilespmem:s22], [sflag:$0x5], $0x80, v4, vm0, $0x2000b8;
	[tilespmem:$0x18100] =	vst v63  }
0x37: {  	s25 =	sor.u32 $0x800, s22  }
0x38: {  	[hbm4b:s9+s3] =	stream.indirect_vreg.scatter [tilespmem:s25], [sflag:$0x5], $0x80, v4, vm1, $0x2000b8;
	[tilespmem:$0x18100] =	vst v63  }
0x39: {  	s26 =	sor.u32 $0xC00, s22  }
0x3a: {  	[hbm4b:s5+s3] =	stream.indirect_vreg.scatter [tilespmem:s26], [sflag:$0x5], $0x80, v3, vm0, $0x2000b8;
	[tilespmem:$0x18100] =	vst v63  }
0x3b: {  	s28 =	sor.u32 $0x1400, s22  }
0x3c: {  	[hbm4b:s9+s3] =	stream.indirect_vreg.scatter [tilespmem:s28], [sflag:$0x5], $0x80, v3, vm1, $0x2000b8;
	[tilespmem:$0x18100] =	vst v63  }
0x3d: {  	v3 =	vld [tilespmem:s23+$0x18010];
	_ =	sdelay $0x4  }
0x3e: {  	v57 =	vshrl.u32 v3, $0x3  }
0x3f: {  	v4 =	vmul.u32 $0x18, v57  }
0x40: {  	v3 =	vand.u32 $0x7, v3  }
0x41: {  	v3 =	vor.u32 v3, v4  }
0x42: {  	v4 =	vperm.xlane v3, v0;
	_ =	sdelay $0x1  }
0x43: {  	v4 =	vadd.s32 v1, v4;
	_ =	sdelay $0x1  }
0x44: {  	v3 =	vperm.xlane v3, v2;
	_ =	sdelay $0x1  }
0x45: {  	s29 =	sor.u32 $0x1800, s22;
	v3 =	vadd.s32 v1, v3  }
0x46: {  	[hbm4b:s5+s3] =	stream.indirect_vreg.scatter [tilespmem:s29], [sflag:$0x5], $0x80, v4, vm0, $0x2000b8;
	[tilespmem:$0x18100] =	vst v63  }
0x47: {  	s30 =	sor.u32 $0x2000, s22  }
0x48: {  	[hbm4b:s9+s3] =	stream.indirect_vreg.scatter [tilespmem:s30], [sflag:$0x5], $0x80, v4, vm1, $0x2000b8;
	[tilespmem:$0x18100] =	vst v63  }
0x49: {  	s31 =	sor.u32 $0x2400, s22  }
0x4a: {  	[hbm4b:s5+s3] =	stream.indirect_vreg.scatter [tilespmem:s31], [sflag:$0x5], $0x80, v3, vm0, $0x2000b8;
	[tilespmem:$0x18100] =	vst v63  }
0x4b: {  	s25 =	sor.u32 $0x2C00, s22  }
0x4c: {  	[hbm4b:s9+s3] =	stream.indirect_vreg.scatter [tilespmem:s25], [sflag:$0x5], $0x80, v3, vm1, $0x2000b8;
	[tilespmem:$0x18100] =	vst v63  }
0x4d: {  	v3 =	vld [tilespmem:s23+$0x18020];
	_ =	sdelay $0x4  }
0x4e: {  	v58 =	vshrl.u32 v3, $0x3  }
0x4f: {  	v4 =	vmul.u32 $0x18, v58  }
0x50: {  	v3 =	vand.u32 $0x7, v3  }
0x51: {  	v3 =	vor.u32 v3, v4  }
0x52: {  	v4 =	vperm.xlane v3, v0;
	_ =	sdelay $0x1  }
0x53: {  	v4 =	vadd.s32 v1, v4;
	_ =	sdelay $0x1  }
0x54: {  	v3 =	vperm.xlane v3, v2;
	_ =	sdelay $0x1  }
0x55: {  	s26 =	sor.u32 $0x3000, s22;
	v3 =	vadd.s32 v1, v3  }
0x56: {  	[hbm4b:s5+s3] =	stream.indirect_vreg.scatter [tilespmem:s26], [sflag:$0x5], $0x80, v4, vm0, $0x2000b8;
	[tilespmem:$0x18100] =	vst v63  }
0x57: {  	s28 =	sor.u32 $0x3800, s22  }
0x58: {  	[hbm4b:s9+s3] =	stream.indirect_vreg.scatter [tilespmem:s28], [sflag:$0x5], $0x80, v4, vm1, $0x2000b8;
	[tilespmem:$0x18100] =	vst v63  }
0x59: {  	s29 =	sor.u32 $0x3C00, s22  }
0x5a: {  	[hbm4b:s5+s3] =	stream.indirect_vreg.scatter [tilespmem:s29], [sflag:$0x5], $0x80, v3, vm0, $0x2000b8;
	[tilespmem:$0x18100] =	vst v63  }
0x5b: {  	s30 =	sadd.s32 $0x4400, s22  }
0x5c: {  	[hbm4b:s9+s3] =	stream.indirect_vreg.scatter [tilespmem:s30], [sflag:$0x5], $0x80, v3, vm1, $0x2000b8;
	[tilespmem:$0x18100] =	vst v63  }
0x5d: {  	v3 =	vld [tilespmem:s23+$0x18030];
	_ =	sdelay $0x4  }
0x5e: {  	v59 =	vshrl.u32 v3, $0x3  }
0x5f: {  	v4 =	vmul.u32 $0x18, v59  }
0x60: {  	v3 =	vand.u32 $0x7, v3  }
0x61: {  	v3 =	vor.u32 v3, v4  }
0x62: {  	v4 =	vperm.xlane v3, v0;
	_ =	sdelay $0x1  }
0x63: {  	v4 =	vadd.s32 v1, v4;
	_ =	sdelay $0x1  }
0x64: {  	v3 =	vperm.xlane v3, v2;
	_ =	sdelay $0x1  }
0x65: {  	s31 =	sadd.s32 $0x4800, s22;
	v3 =	vadd.s32 v1, v3  }
0x66: {  	[hbm4b:s5+s3] =	stream.indirect_vreg.scatter [tilespmem:s31], [sflag:$0x5], $0x80, v4, vm0, $0x2000b8;
	[tilespmem:$0x18100] =	vst v63  }
0x67: {  	s25 =	sadd.s32 $0x5000, s22  }
0x68: {  	[hbm4b:s9+s3] =	stream.indirect_vreg.scatter [tilespmem:s25], [sflag:$0x5], $0x80, v4, vm1, $0x2000b8;
	[tilespmem:$0x18100] =	vst v63  }
0x69: {  	s26 =	sadd.s32 $0x5400, s22  }
0x6a: {  	[hbm4b:s5+s3] =	stream.indirect_vreg.scatter [tilespmem:s26], [sflag:$0x5], $0x80, v3, vm0, $0x2000b8;
	[tilespmem:$0x18100] =	vst v63  }
0x6b: {  	s28 =	sadd.s32 $0x5C00, s22  }
0x6c: {  	[hbm4b:s9+s3] =	stream.indirect_vreg.scatter [tilespmem:s28], [sflag:$0x5], $0x80, v3, vm1, $0x2000b8;
	[tilespmem:$0x18100] =	vst v63  }
0x6d: {  	v3 =	vld [tilespmem:s23+$0x18040];
	_ =	sdelay $0x4  }
0x6e: {  	v60 =	vshrl.u32 v3, $0x3  }
0x6f: {  	v4 =	vmul.u32 $0x18, v60  }
0x70: {  	v3 =	vand.u32 $0x7, v3  }
0x71: {  	v3 =	vor.u32 v3, v4  }
0x72: {  	v4 =	vperm.xlane v3, v0;
	_ =	sdelay $0x1  }
0x73: {  	v4 =	vadd.s32 v1, v4;
	_ =	sdelay $0x1  }
0x74: {  	v3 =	vperm.xlane v3, v2;
	_ =	sdelay $0x1  }
0x75: {  	s29 =	sadd.s32 $0x6000, s22;
	v3 =	vadd.s32 v1, v3  }
0x76: {  	[hbm4b:s5+s3] =	stream.indirect_vreg.scatter [tilespmem:s29], [sflag:$0x5], $0x80, v4, vm0, $0x2000b8;
	[tilespmem:$0x18100] =	vst v63  }
0x77: {  	s30 =	sadd.s32 $0x6800, s22  }
0x78: {  	[hbm4b:s9+s3] =	stream.indirect_vreg.scatter [tilespmem:s30], [sflag:$0x5], $0x80, v4, vm1, $0x2000b8;
	[tilespmem:$0x18100] =	vst v63  }
0x79: {  	s31 =	sadd.s32 $0x6C00, s22  }
0x7a: {  	[hbm4b:s5+s3] =	stream.indirect_vreg.scatter [tilespmem:s31], [sflag:$0x5], $0x80, v3, vm0, $0x2000b8;
	[tilespmem:$0x18100] =	vst v63  }
0x7b: {  	s25 =	sadd.s32 $0x7400, s22  }
0x7c: {  	[hbm4b:s9+s3] =	stream.indirect_vreg.scatter [tilespmem:s25], [sflag:$0x5], $0x80, v3, vm1, $0x2000b8;
	[tilespmem:$0x18100] =	vst v63  }
0x7d: {  	v3 =	vld [tilespmem:s23+$0x18050];
	_ =	sdelay $0x4  }
0x7e: {  	v61 =	vshrl.u32 v3, $0x3  }
0x7f: {  	v4 =	vmul.u32 $0x18, v61  }
0x80: {  	v3 =	vand.u32 $0x7, v3  }
0x81: {  	v3 =	vor.u32 v3, v4  }
0x82: {  	v4 =	vperm.xlane v3, v0;
	_ =	sdelay $0x1  }
0x83: {  	v4 =	vadd.s32 v1, v4;
	_ =	sdelay $0x1  }
0x84: {  	v3 =	vperm.xlane v3, v2;
	_ =	sdelay $0x1  }
0x85: {  	s26 =	sadd.s32 $0x7800, s22;
	v3 =	vadd.s32 v1, v3  }
0x86: {  	[hbm4b:s5+s3] =	stream.indirect_vreg.scatter [tilespmem:s26], [sflag:$0x5], $0x80, v4, vm0, $0x2000b8;
	[tilespmem:$0x18100] =	vst v63  }
0x87: {  	s28 =	sadd.s32 $0x8000, s22  }
0x88: {  	[hbm4b:s9+s3] =	stream.indirect_vreg.scatter [tilespmem:s28], [sflag:$0x5], $0x80, v4, vm1, $0x2000b8;
	[tilespmem:$0x18100] =	vst v63  }
0x89: {  	s29 =	sadd.s32 $0x8400, s22  }
0x8a: {  	[hbm4b:s5+s3] =	stream.indirect_vreg.scatter [tilespmem:s29], [sflag:$0x5], $0x80, v3, vm0, $0x2000b8;
	[tilespmem:$0x18100] =	vst v63  }
0x8b: {  	s30 =	sadd.s32 $0x8C00, s22  }
0x8c: {  	[hbm4b:s9+s3] =	stream.indirect_vreg.scatter [tilespmem:s30], [sflag:$0x5], $0x80, v3, vm1, $0x2000b8;
	[tilespmem:$0x18100] =	vst v63  }
0x8d: {  	v3 =	vld [tilespmem:s23+$0x18060];
	_ =	sdelay $0x4  }
0x8e: {  	v62 =	vshrl.u32 v3, $0x3  }
0x8f: {  	v4 =	vmul.u32 $0x18, v62  }
0x90: {  	v3 =	vand.u32 $0x7, v3  }
0x91: {  	v3 =	vor.u32 v3, v4  }
0x92: {  	v4 =	vperm.xlane v3, v0;
	_ =	sdelay $0x1  }
0x93: {  	v4 =	vadd.s32 v1, v4;
	_ =	sdelay $0x1  }
0x94: {  	v3 =	vperm.xlane v3, v2;
	_ =	sdelay $0x1  }
0x95: {  	s31 =	sadd.s32 $0x9000, s22;
	v3 =	vadd.s32 v1, v3  }
0x96: {  	[hbm4b:s5+s3] =	stream.indirect_vreg.scatter [tilespmem:s31], [sflag:$0x5], $0x80, v4, vm0, $0x2000b8;
	[tilespmem:$0x18100] =	vst v63  }
0x97: {  	s25 =	sadd.s32 $0x9800, s22  }
0x98: {  	[hbm4b:s9+s3] =	stream.indirect_vreg.scatter [tilespmem:s25], [sflag:$0x5], $0x80, v4, vm1, $0x2000b8;
	[tilespmem:$0x18100] =	vst v63  }
0x99: {  	s26 =	sadd.s32 $0x9C00, s22  }
0x9a: {  	[hbm4b:s5+s3] =	stream.indirect_vreg.scatter [tilespmem:s26], [sflag:$0x5], $0x80, v3, vm0, $0x2000b8;
	[tilespmem:$0x18100] =	vst v63  }
0x9b: {  	s28 =	sadd.s32 $0xA400, s22  }
0x9c: {  	[hbm4b:s9+s3] =	stream.indirect_vreg.scatter [tilespmem:s28], [sflag:$0x5], $0x80, v3, vm1, $0x2000b8;
	[tilespmem:$0x18100] =	vst v63  }
0x9d: {  	v3 =	vld [tilespmem:s23+$0x18070];
	_ =	sdelay $0x4  }
0x9e: {  	v63 =	vshrl.u32 v3, $0x3  }
0x9f: {  	v4 =	vmul.u32 $0x18, v63  }
0xa0: {  	v3 =	vand.u32 $0x7, v3  }
0xa1: {  	v3 =	vor.u32 v3, v4  }
0xa2: {  	v4 =	vperm.xlane v3, v0;
	_ =	sdelay $0x1  }
0xa3: {  	v4 =	vadd.s32 v1, v4;
	_ =	sdelay $0x1  }
0xa4: {  	p1 =	por !p1, p0;
	s24 =	simm.s32 $0x0;
	v3 =	vperm.xlane v3, v2  }
0xa5: {  	s14 =	sadd.s32 $0xFFFFFFFF, s14;
	p6 =	sne.s32 s21, s15;
	s24 =	simm.s32 @p1 $0x1  }
0xa6: {  	s24 =	simm.s32 @p0 $0x0;
	s29 =	sadd.s32 $0xA800, s22;
	s23 =	sadd.s32 @!p2 $0x1, s20;
	v3 =	vadd.s32 v1, v3  }
0xa7: {  	[hbm4b:s5+s3] =	stream.indirect_vreg.scatter [tilespmem:s29], [sflag:$0x5], $0x80, v4, vm0, $0x2000b8;
	[tilespmem:$0x18100] =	vst v63  }
0xa8: {  	s30 =	sadd.s32 $0xB000, s22;
	s31 =	sadd.s32 $0xB400, s22;
	s19 =	smov.u32 @p1 s23  }
0xa9: {  	[hbm4b:s9+s3] =	stream.indirect_vreg.scatter [tilespmem:s30], [sflag:$0x5], $0x80, v4, vm1, $0x2000b8;
	[tilespmem:$0x18100] =	vst v63  }
0xaa: {  	s19 =	smov.u32 @p0 s20;
	p0 =	por p0, p6;
	s20 =	simm.s32 $0x1  }
0xab: {  	[hbm4b:s5+s3] =	stream.indirect_vreg.scatter [tilespmem:s31], [sflag:$0x5], $0x80, v3, vm0, $0x2000b8;
	[tilespmem:$0x18100] =	vst v63  }
0xac: {  	s22 =	sadd.s32 $0xBC00, s22;
	s20 =	simm.s32 @!p0 $0x0;
	p0 =	sne.s32 s14, $0x0  }
0xad: {  	[hbm4b:s9+s3] =	stream.indirect_vreg.scatter [tilespmem:s22], [sflag:$0x5], $0x80, v3, vm1, $0x2000b8;
	[tilespmem:$0x18100] =	vst v63  }
.Ltmp0:
0xae: {  	_ = 	snop;
	(pc) =	sbr.rel @p0 .LBB2_2-.Ltmp0, $4  }
0xaf: {  	_ =	swait.ge [sflag:s12], $0xC000  }
0xb0: {  	[sflag:s12] =	ssyncset.done $0x0  }
0xb1: {  	s17 =	sadd.s32 s17, s24;
	s18 =	sadd.s32 s20, s18;
	[sflag:s12] =	ssyncadd.s32 $0xFFFF4000  }
0xb2: {  	s16 =	sadd.s32 s20, s16;
	s20 =	smov.u32 s19;
	_ =	strace $0x9000005A  }
0xb3: {  	s13 =	sadd.s32 $0x1, s13  }
0xb4: {  	p0 =	sne.s32 s13, s10  }
.Ltmp1:
0xb5: {  	_ = 	snop;
	(pc) =	sbr.rel @p0 .LBB2_1-.Ltmp1, $1  }
0xb6: {  	_ =	sdelay $0x3  }
0xb7: {  	_ =	sfence.sel $0x180000  }
0xb8: {  	[bflag:$0x0] =	sbarrier.arrive $0xFFFF  }
0xb9: {  	p0 =	sne.s32 s2, $0x0;
	_ =	strace $0x90000054  }
0xba: {  	s0 =	sadd.s32 @!p0 $0x100000, s0;
	[bflag:$0x2] =	sbarrier.arrive $0xFFFF  }
0xbb: {  	[sflag:s0] =	ssyncadd.tile.s32 @!p0 $0x1;
	_ =	shalt  }
.Lfunc_end2:
_tile_overlayer_lowered:
.L_overlay_start_2:
0xbc: {  	(tag) =	ssettag $0x2  }
0xbd: {  	s0 =	rddreg [dreg:$0x0];
	s2 =	stileid.u32  }
0xbe: {  	s1 =	rddreg [dreg:$0x1];
	p0 =	sne.s32 s2, $0x0  }
0xbf: {  	s3 =	rddreg [dreg:$0x2];
	[bflag:$0x3] =	sbarrier.arrive $0xFFFF;
	s2 =	simm.s32 @!p0 $0x1C01  }
0xc0: {  	[timem:s3], [sflag:s2] =	dma.local @!p0 [hbm:s0], s1  }
0xc1: {  	s0 =	simm.s32 @!p0 $0x1  }
0xc2: {  	_ =	swait.ge @!p0 [sflag:s0], s1  }
0xc3: {  	s1 =	ssub.s32 @!p0 $0x0, s1;
	[sflag:s0] =	ssyncset.done @!p0 $0x0  }
0xc4: {  	[sflag:s0] =	ssyncadd.s32 @!p0 s1  }
0xc5: {  	[bflag:$0x3] =	sbarrier.arrive $0xFFFF  }
0xc6: {  	_ =	shalt  }

// kernel: scatter_offload_async_start
scs
__scs_entry_jumppad:
0x0: {  	(pc) =	sbr.rel $0x88, $3  }
0x1: {  	(tag) =	ssettag $0x0;
	lr =	simm.s32 $0x1  }
0x2: {  	[smem:$0x3F9C] =	sst lr;
	_ =	strace $0xD0000000  }
0x3: {  	_ = 	snop  }
0x4: {  	_ = 	snop  }
0x5: {  	_ = 	snop  }
0x6: {  	_ = 	snop  }
0x7: {  	_ = 	snop  }
__scs_overlays_trampoline_lowered:
0x8: {  	[smem:$0x3FAB] =	sst s0  }
0x9: {  	[smem:$0x3FAC] =	sst s1  }
0xa: {  	[smem:$0x3FAD] =	sst s2  }
0xb: {  	[smem:$0x3FAE] =	sst s3  }
0xc: {  	[smem:$0x3FAF] =	sst s4  }
0xd: {  	[smem:$0x3FB0] =	sst s5  }
0xe: {  	[smem:$0x3FB1] =	sst s6  }
0xf: {  	[smem:$0x3FB2] =	sst s7  }
0x10: {  	[smem:$0x3FB3] =	sst s8  }
0x11: {  	[smem:$0x3FB4] =	sst s9;
	s0 =	simm.s32 @!p0 $0x0  }
0x12: {  	s1 =	sld [smem:$0x3F9A];
	s0 =	simm.s32 @p0 $0x1  }
0x13: {  	[smem:$0x3FB5] =	sst s0;
	s0 =	simm.s32 @!p1 $0x0  }
0x14: {  	s2 =	sld [smem:$0x3F99];
	s0 =	simm.s32 @p1 $0x1  }
0x15: {  	[smem:$0x3FB6] =	sst s0;
	s0 =	simm.s32 @!p2 $0x0  }
0x16: {  	s3 =	sld [smem:$0x3FDB];
	s0 =	simm.s32 @p2 $0x1  }
0x17: {  	s4 =	simm.s32 $0x1BF5;
	[smem:$0x3FB8] =	sst s0  }
0x18: {  	s0 =	sld [smem:$0x3F9B];
	_ =	swait.ge [sflag:s4], $0x0  }
0x19: {  	s7 =	sld [smem:$0x3F9C]  }
0x1a: {  	s8 =	sadd.s32 $0xFFFFE003, lr  }
0x1b: {  	s9 =	sadd.s32 $0xFFFFFEF7, lr;
	s5 =	simm.s32 $0xFFFFFFFF;
	p2 =	slt.u32 s8, $0xFFFFF086  }
0x1c: {  	p1 =	slt.u32 s9, $0xF7A;
	s5 =	simm.s32 @!p2 $0x0  }
0x1d: {  	s5 =	simm.s32 @p1 $0x1;
	p0 =	seq.s32 s7, s2  }
0x1e: {  	s7 =	smul.u32 @!p0 $0xF7A, s2;
	p2 =	seq.s32 @!p0 s5, $0x0  }
0x1f: {  	s9 =	smul.u32 $0xF7A, s1;
	s8 =	simm.s32 @!p0 $0x1BF5;
	p2 =	por !p2, p0  }
0x20: {  	[sflag:s8] =	ssyncset.s32 @!p0 $0xFFFFF086;
	s6 =	sadd.s32 @!p0 s3, s7;
	s7 =	simm.s32 @!p0 $0x108  }
0x21: {  	s3 =	sadd.s32 s3, s9;
	s6 =	sadd.s32 @!p0 $0x88, s6;
	s7 =	simm.s32 @p2 $0x1082  }
0x22: {  	[simem:s7], [sflag:s8] =	dma.local @!p0 [hbm:s6], $0xF7A  }
0x23: {  	s9 =	sor.u32 $0xD0000000, s2;
	s6 =	simm.s32 $0x108;
	_ =	swait.ge @!p0 [sflag:s8], $0x0  }
0x24: {  	s3 =	sadd.s32 $0x88, s3;
	s6 =	simm.s32 @!p1 $0x1082;
	[sflag:s4] =	ssyncset.s32 $0xFFFFF086  }
0x25: {  	[simem:s6], [sflag:s4] =	dma.local [hbm:s3], $0xF7A  }
0x26: {  	[smem:$0x3F9C] =	sst s1;
	(tag) =	ssettag s2;
	_ =	strace s9  }
0x27: {  	s1 =	sld [smem:$0x3FAC]  }
0x28: {  	s2 =	sld [smem:$0x3FAD]  }
0x29: {  	s4 =	sld [smem:$0x3FAF]  }
0x2a: {  	p0 =	seq.s32 s5, $0x0;
	s5 =	sld [smem:$0x3FB0]  }
0x2b: {  	s6 =	sld [smem:$0x3FB1]  }
0x2c: {  	s7 =	sld [smem:$0x3FB2]  }
0x2d: {  	s3 =	simm.s32 $0x108;
	s8 =	sld [smem:$0x3FB3]  }
0x2e: {  	s3 =	simm.s32 @!p0 $0x1082;
	s9 =	sld [smem:$0x3FB4]  }
0x2f: {  	lr =	sadd.s32 s0, s3;
	s0 =	sld [smem:$0x3FAB]  }
0x30: {  	s3 =	sld [smem:$0x3FAE]  }
0x31: {  	[smem:$0x3FB7] =	sst s10  }
0x32: {  	s10 =	sld [smem:$0x3FB5];
	_ =	sdelay $0x3  }
0x33: {  	p0 =	seq.s32 s10, $0x1;
	s10 =	sld [smem:$0x3FB7];
	_ =	sdelay $0x3  }
0x34: {  	[smem:$0x3FB7] =	sst s10  }
0x35: {  	s10 =	sld [smem:$0x3FB6];
	_ =	sdelay $0x3  }
0x36: {  	p1 =	seq.s32 s10, $0x1;
	s10 =	sld [smem:$0x3FB7];
	_ =	sdelay $0x3  }
0x37: {  	[smem:$0x3FB7] =	sst s10  }
0x38: {  	s10 =	sld [smem:$0x3FB8]  }
0x39: {  	_ = 	snop;
	(pc) =	sbr.ind lr, $3  }
0x3a: {  	_ = 	snop  }
0x3b: {  	_ = 	snop  }
0x3c: {  	p2 =	seq.s32 s10, $0x1;
	s10 =	sld [smem:$0x3FB7]  }
0x3d: {  	_ =	shalt  }
0x3e: {  	_ =	shalt  }
0x3f: {  	_ =	shalt  }
0x40: {  	_ =	shalt  }
0x41: {  	_ =	shalt  }
0x42: {  	_ =	shalt  }
0x43: {  	_ =	shalt  }
0x44: {  	_ =	shalt  }
0x45: {  	_ =	shalt  }
0x46: {  	_ =	shalt  }
0x47: {  	_ =	shalt  }
0x48: {  	_ =	shalt  }
0x49: {  	_ =	shalt  }
0x4a: {  	_ =	shalt  }
0x4b: {  	_ =	shalt  }
0x4c: {  	_ =	shalt  }
0x4d: {  	_ =	shalt  }
0x4e: {  	_ =	shalt  }
0x4f: {  	_ =	shalt  }
0x50: {  	_ =	shalt  }
0x51: {  	_ =	shalt  }
0x52: {  	_ =	shalt  }
0x53: {  	_ =	shalt  }
0x54: {  	_ =	shalt  }
0x55: {  	_ =	shalt  }
0x56: {  	_ =	shalt  }
0x57: {  	_ =	shalt  }
0x58: {  	_ =	shalt  }
0x59: {  	_ =	shalt  }
0x5a: {  	_ =	shalt  }
0x5b: {  	_ =	shalt  }
0x5c: {  	_ =	shalt  }
0x5d: {  	_ =	shalt  }
0x5e: {  	_ =	shalt  }
0x5f: {  	_ =	shalt  }
0x60: {  	_ =	shalt  }
0x61: {  	_ =	shalt  }
0x62: {  	_ =	shalt  }
0x63: {  	_ =	shalt  }
0x64: {  	_ =	shalt  }
0x65: {  	_ =	shalt  }
0x66: {  	_ =	shalt  }
0x67: {  	_ =	shalt  }
0x68: {  	_ =	shalt  }
0x69: {  	_ =	shalt  }
0x6a: {  	_ =	shalt  }
0x6b: {  	_ =	shalt  }
0x6c: {  	_ =	shalt  }
0x6d: {  	_ =	shalt  }
0x6e: {  	_ =	shalt  }
0x6f: {  	_ =	shalt  }
0x70: {  	_ =	shalt  }
0x71: {  	_ =	shalt  }
0x72: {  	_ =	shalt  }
0x73: {  	_ =	shalt  }
0x74: {  	_ =	shalt  }
0x75: {  	_ =	shalt  }
0x76: {  	_ =	shalt  }
0x77: {  	_ =	shalt  }
0x78: {  	_ =	shalt  }
0x79: {  	_ =	shalt  }
0x7a: {  	_ =	shalt  }
0x7b: {  	_ =	shalt  }
0x7c: {  	_ =	shalt  }
0x7d: {  	_ =	shalt  }
0x7e: {  	_ =	shalt  }
0x7f: {  	_ =	shalt  }
0x80: {  	_ =	shalt  }
0x81: {  	_ =	shalt  }
0x82: {  	_ =	shalt  }
0x83: {  	_ =	shalt  }
0x84: {  	_ =	shalt  }
0x85: {  	_ =	shalt  }
0x86: {  	_ =	shalt  }
0x87: {  	_ =	shalt  }
.Lfunc_end0:
.L_simem_size_0:
called_computation_lowered:
.L_overlay_start_0:
0x88: {  	s0 =	sld [smem:$0x3FD9]  }
0x89: {  	s1 =	sld [smem:$0x3FFE];
	_ =	sdelay $0x3  }
0x8a: {  	s0 =	sadd.s32 s1, s0  }
0x8b: {  	[smem:$0x3FC3] =	sst s0  }
0x8c: {  	_ = 	snop  }
0x8d: {  	(tm) =	ssettm $0x1  }
0x8e: {  	s15 =	sld [smem:$0x3FFB];
	_ =	sdelay $0x3  }
0x8f: {  	_ =	strace s15  }
0x90: {  	s0 =	sld [smem:$0x3FFC];
	_ =	sdelay $0x3  }
0x91: {  	_ =	strace s0  }
0x92: {  	s0 =	sld [smem:$0x3FFD];
	_ =	sdelay $0x3  }
0x93: {  	_ =	strace s0  }
0x94: {  	_ =	strace $0x8FFFFFFF  }
0x95: {  	s16 =	sld [smem:$0x3FDB];
	_ =	sdelay $0x1  }
0x96: {  	s17 =	simm.s32 $_scs_section_size  }
0x97: {  	s2 =	simm.s32 $_size__tile_overlayer_lowered;
	s3 =	simm.s32 $_tile_overlayer_lowered  }
0x98: {  	s20 =	simm.s32 $0x1BFF;
	s19 =	sshll.u32 s3, $0x1;
	s0 =	sadd.s32 s17, s16  }
0x99: {  	s4 =	simm.s32 $0x0;
	s18 =	sshll.u32 s2, $0x1;
	s2 =	sadd.s32 s19, s0  }
0x9a: {  	[timem:s4], [sflag:s20] =	dma.local [hbm:s2], s18  }
0x9b: {  	_ =	swait.ge [sflag:s20], s18  }
0x9c: {  	s1 =	ssub.s32 $0x0, s18;
	[sflag:s20] =	ssyncset.done $0x0  }
0x9d: {  	[sflag:s20] =	ssyncadd.s32 s1;
	_ =	sdelay $0x1  }
0x9e: {  	s21 =	simm.s32 $0x1B8B  }
0x9f: {  	_ =	swait.ge [sflag:s21], $0x1  }
0xa0: {  	[sflag:s21] =	ssyncset.done $0x0  }
0xa1: {  	s23 =	simm.s32 $0x1B8E;
	s22 =	sld [smem:$0x3FFE];
	[sflag:s21] =	ssyncadd.s32 $0xFFFFFFFF  }
0xa2: {  	s24 =	simm.s32 $execute0_lowered;
	[smem:$0x3FD2] =	sst s23  }
0xa3: {  	s2 =	sshll.u32 s24, $0x1;
	_ =	strace $0x80000046;
	[dreg:$0x1] =	wrdreg $0xFFFFFFFF  }
0xa4: {  	s25 =	simm.s32 $_size_execute0_lowered;
	s0 =	sadd.s32 s0, s2;
	[dreg:$0x0] =	wrdreg $0x0  }
0xa5: {  	s2 =	sshll.u32 s25, $0x1;
	[dreg:$0x2] =	wrdreg s0  }
0xa6: {  	[dreg:$0x3] =	wrdreg s2  }
0xa7: {  	[dreg:$0x4] =	wrdreg $0xC0  }
0xa8: {  	_ =	task [dreg:s4], $0x5FFFF  }
0xa9: {  	[dreg:$0x1] =	wrdreg $0xFFFFFFFF  }
0xaa: {  	[dreg:$0x0] =	wrdreg $0x60  }
0xab: {  	[dreg:$0x2] =	wrdreg s22  }
0xac: {  	[dreg:$0x3] =	wrdreg $0x9  }
0xad: {  	_ =	task.clear_ibuf [dreg:s4], $0x4FFFF;
	_ =	strace $0x90000046  }
0xae: {  	s26 =	simm.s32 $0x9;
	_ =	strace $0x80000048  }
0xaf: {  	_ =	swait.ge [sflag:s26], $0x1  }
0xb0: {  	[sflag:s26] =	ssyncadd.s32 $0xFFFFFFFF  }
0xb1: {  	_ =	strace $0x90000048  }
0xb2: {  	_ =	sfence  }
0xb3: {  	s28 =	sld [smem:$0x0];
	_ =	sdelay $0x1  }
0xb4: {  	s29 =	srdreg.scid  }
0xb5: {  	s30 =	sshll.u32 s29, $0xD;
	s31 =	sshrl.u32 s29, $0x2  }
0xb6: {  	s1 =	sand.u32 $0x1, s29;
	s2 =	sand.u32 $0x4000, s30;
	s0 =	sadd.s32 s31, s28  }
0xb7: {  	s1 =	sor.u32 s2, s1;
	s0 =	sshll.u32 s0, $0x11  }
0xb8: {  	s0 =	sor.u32 s0, s1  }
0xb9: {  	s0 =	sadd.s32 $0x8F2B, s0  }
0xba: {  	[sflag:s0] =	ssyncadd.remote.s32 $0x1  }
0xbb: {  	_ =	sfence.sel $0xFFFF  }
0xbc: {  	[dreg:$0x0] =	wrdreg $0xFFFFFFFF;
	(pc) =	sbr.abs _section_cstart, $3  }
0xbd: {  	[dreg:$0x1] =	wrdreg $0xFFFFFFFF  }
0xbe: {  	_ =	task.clear_ibuf [dreg:s4], $0x2FFFF;
	_ =	strace $0x9FFFFFFF  }
0xbf: {  	(tm) =	ssettm $0x7FFFFFFF  }
tec
execute0_lowered:
.L_overlay_start_1:
0x0: {  	(tag) =	ssettag $0x1  }
0x1: {  	s2 =	rddreg [dreg:$0x0]  }
0x2: {  	s0 =	rddreg [dreg:$0x1];
	_ =	strace $0x80000047;
	s3 =	stileid.u32  }
0x3: {  	s4 =	simm.s32 $0x3E;
	s1 =	sadd.s32 $0x1000, s2;
	p0 =	sne.s32 s3, $0x0  }
0x4: {  	[sflag:s4] =	ssyncpa.u1 $0x0;
	s5 =	simm.s32 @!p0 $0x1C3E;
	s6 =	simm.s32 @!p0 $0x0  }
0x5: {  	[spmem:s6], [sflag:s5] =	dma.local @!p0 [hbm:s1], $0x10  }
0x6: {  	s5 =	simm.s32 @!p0 $0x3E  }
0x7: {  	_ =	swait.ge @!p0 [sflag:s5], $0x10  }
0x8: {  	[sflag:s5] =	ssyncset.done @!p0 $0x0  }
0x9: {  	[sflag:s5] =	ssyncadd.s32 @!p0 $0xFFFFFFF0  }
0xa: {  	s28 =	simm.s32 $0x1;
	s29 =	simm.s32 $0x2;
	[bflag:$0x0] =	sbarrier.arrive $0xFFFF  }
0xb: {  	s7 =	simm.s32 $0x408;
	s3 =	sshll.u32 s3, $0x7;
	[sflag:s4] =	ssyncpa.u1 $0x1  }
0xc: {  	s30 =	sadd.s32 $0x800, s2;
	s31 =	sadd.s32 s2, s3;
	[sflag:s28] =	ssyncpa.u1 $0x0  }
0xd: {  	s2 =	simm.s32 $0x0;
	(ifvalue) =	ssetifvalue $0x80;
	[sflag:s29] =	ssyncpa.u1 $0x0  }
0xe: {  	[tilespmem:s7], [sflag:$0x2] =	stream.linear.gather [hbm4b:s31+s2], $0x400, $0x38;
	[tilespmem:$0x1008] =	vst v63  }
0xf: {  	s5 =	sadd.s32 s30, s3;
	s3 =	simm.s32 $0xC08  }
0x10: {  	[tilespmem:s3], [sflag:$0x2] =	stream.linear.gather [hbm4b:s5+s2], $0x400, $0x38;
	[tilespmem:$0x1008] =	vst v63  }
0x11: {  	_ =	swait.ge [sflag:s29], $0x800  }
0x12: {  	[sflag:s29] =	ssyncset.done $0x0  }
0x13: {  	[sflag:s29] =	ssyncadd.s32 $0xFFFFF800  }
0x14: {  	v0 =	vld.msk [tilespmem:s7+$0x0 ss:$0x1], $0xffff;
	_ =	sdelay $0x4  }
0x15: {  	v0 =	vmin.u32 v0, $0x80;
	_ =	sdelay $0x3  }
0x16: {  	vm0 =	vmmov $0xffff;
	s4 =	simm.s32 $0x0;
	s5 =	simm.s32 $0x418  }
0x17: {  	[spmem:s2] =	stream.indirect_vreg.scatter.add.s32 [tilespmem:s3], [sflag:$0x1], $0x1, v0, vm0, $0x4038;
	[tilespmem:$0x1008] =	vst v63  }
.LBB2_1:
0x18: {  	v0 =	vld.msk [tilespmem:s5+$0x0 ss:$0x1], $0xffff;
	s4 =	sadd.s32 $0x10, s4  }
0x19: {  	p1 =	slt.u32 s4, $0x3F0;
	_ =	sdelay $0x4  }
0x1a: {  	v0 =	vmin.u32 v0, $0x80  }
.Ltmp0:
0x1b: {  	(pc) =	sbr.rel @p1 .LBB2_1-.Ltmp0, $3  }
0x1c: {  	_ =	sdelay $0x1  }
0x1d: {  	s5 =	sadd.s32 $0x10, s5;
	s3 =	sadd.s32 $0x10, s3  }
0x1e: {  	[spmem:s2] =	stream.indirect_vreg.scatter.add.s32 [tilespmem:s3], [sflag:$0x1], $0x1, v0, vm0, $0x4038;
	[tilespmem:$0x1008] =	vst v63  }
0x1f: {  	s2 =	simm.s32 $0x1  }
0x20: {  	_ =	swait.ge [sflag:s2], $0x400  }
0x21: {  	[sflag:s2] =	ssyncset.done $0x0  }
0x22: {  	[sflag:s2] =	ssyncadd.s32 $0xFFFFFC00  }
0x23: {  	_ =	sfence.sel $0x180000  }
0x24: {  	s3 =	simm.s32 $0x2;
	[bflag:$0x0] =	sbarrier.arrive $0xFFFF  }
0x25: {  	[sflag:s3] =	ssyncpa.u1 $0x1  }
0x26: {  	[sflag:s2] =	ssyncpa.u1 $0x1  }
0x27: {  	_ =	sfence.stream.spmem  }
0x28: {  	s31 =	simm.s32 $0x3D;
	[bflag:$0x0] =	sbarrier.arrive $0xFFFF  }
0x29: {  	s2 =	simm.s32 @p0 $0x3D;
	[sflag:s31] =	ssyncpa.u1 $0x0  }
0x2a: {  	[sflag:s2] =	ssyncpa.u1 @p0 $0x1  }
0x2b: {  	[bflag:$0x0] =	sbarrier.arrive @p0 $0xFFFF  }
0x2c: {  	_ =	strace @p0 $0x90000047  }
0x2d: {  	s3 =	simm.s32 @!p0 $0x1C3D;
	s2 =	simm.s32 @!p0 $0x0;
	[bflag:$0x2] =	sbarrier.arrive @p0 $0xFFFF  }
0x2e: {  	[hbm:s1], [sflag:s3] =	dma.local @!p0 [spmem:s2], $0x10  }
0x2f: {  	s1 =	simm.s32 @!p0 $0x3D  }
0x30: {  	_ =	swait.ge @!p0 [sflag:s1], $0x10  }
0x31: {  	[sflag:s1] =	ssyncset.done @!p0 $0x0  }
0x32: {  	[sflag:s1] =	ssyncadd.s32 @!p0 $0xFFFFFFF0  }
0x33: {  	[sflag:s1] =	ssyncpa.u1 @!p0 $0x1  }
0x34: {  	[bflag:$0x0] =	sbarrier.arrive @!p0 $0xFFFF  }
0x35: {  	_ =	strace @!p0 $0x90000047  }
0x36: {  	s0 =	sadd.s32 @!p0 $0x100000, s0;
	[bflag:$0x2] =	sbarrier.arrive @!p0 $0xFFFF  }
0x37: {  	[sflag:s0] =	ssyncadd.tile.s32 @!p0 $0x1;
	_ =	shalt  }
.Lfunc_end2:
_tile_overlayer_lowered:
.L_overlay_start_2:
0x38: {  	(tag) =	ssettag $0x2  }
0x39: {  	s0 =	rddreg [dreg:$0x0];
	s2 =	stileid.u32  }
0x3a: {  	s1 =	rddreg [dreg:$0x1];
	p0 =	sne.s32 s2, $0x0  }
0x3b: {  	s3 =	rddreg [dreg:$0x2];
	[bflag:$0x3] =	sbarrier.arrive $0xFFFF;
	s2 =	simm.s32 @!p0 $0x1C01  }
0x3c: {  	[timem:s3], [sflag:s2] =	dma.local @!p0 [hbm:s0], s1  }
0x3d: {  	s0 =	simm.s32 @!p0 $0x1  }
0x3e: {  	_ =	swait.ge @!p0 [sflag:s0], s1  }
0x3f: {  	s1 =	ssub.s32 @!p0 $0x0, s1;
	[sflag:s0] =	ssyncset.done @!p0 $0x0  }
0x40: {  	[sflag:s0] =	ssyncadd.s32 @!p0 s1  }
0x41: {  	[bflag:$0x3] =	sbarrier.arrive $0xFFFF  }
0x42: {  	_ =	shalt  }

</sc_bundles>
